<compile_context>
chip_gen: v7x
topology: tpu7x:2x2x1
jax: 0.10.2.dev20260603
libtpu: 0.0.44.dev20260713+nightly
codegen_flags: <defaults>
</compile_context>

<pallas_src>
import jax
import jax.numpy as jnp
from jax import lax
from jax.experimental import pallas as pl
from jax.experimental.pallas import tpu as pltpu
from jax.experimental.pallas import tpu_sc as plsc

N_ROWS = 100001
H = 128
BLK = 8192
NBLK = 13
NPAD = NBLK * BLK
NW = 32
NSEQ = 4096
SEQ = 200
ROWS_PER_W = NSEQ // NW
NLOC = 4096
LOC_PER_W = NLOC // NW


def _sc_hist_body(l_hbm, partials_hbm, counts_v, idx_v, sem):
    wid = lax.axis_index("s") * 2 + lax.axis_index("c")
    zeros16 = jnp.zeros((16,), jnp.float32)
    tail_ok = lax.broadcasted_iota(jnp.int32, (16,), 0) >= 8

    half = ROWS_PER_W // 2
    cp0 = pltpu.make_async_copy(
        l_hbm.at[pl.ds(wid * ROWS_PER_W, half)], idx_v, sem)
    cp0.start()

    def zero_counts(i, c):
        counts_v[pl.ds(i * 16, 16)] = zeros16
        return c
    lax.fori_loop(0, NPAD // 16, zero_counts, 0, unroll=8)
    cp0.wait()

    def hist(r, c_):
        units = [(idx_v[r, pl.ds(k * 16, 16)], None) for k in range(12)]
        units.append((idx_v[r, pl.ds(SEQ - 16, 16)], tail_ok))
        for g in range(0, 13, 3):
            batch = units[g:g + 3]
            scans = [plsc.scan_count(idx) if m is None
                     else plsc.scan_count(idx, m) for idx, m in batch]
            for (idx, m), (cnt, last) in zip(batch, scans):
                plsc.addupdate_scatter(
                    counts_v, [idx], cnt.astype(jnp.float32),
                    mask=last if m is None else last & m)
        return c_

    for c in range(2):
        if c > 0:
            pltpu.sync_copy(
                l_hbm.at[pl.ds(wid * ROWS_PER_W + half, half)], idx_v)
        lax.fori_loop(0, half, hist, 0, unroll=2)
    pltpu.sync_copy(counts_v, partials_hbm.at[wid])


def _sc_hist(l_input):
    mesh = plsc.VectorSubcoreMesh(core_axis_name="c", subcore_axis_name="s")
    return pl.kernel(
        _sc_hist_body,
        out_type=jax.ShapeDtypeStruct((NW, NPAD), jnp.float32),
        mesh=mesh,
        scratch_types=[
            pltpu.VMEM((NPAD,), jnp.float32),
            pltpu.VMEM((ROWS_PER_W // 2, SEQ), jnp.int32),
            pltpu.SemaphoreType.DMA,
        ],
        compiler_params=pltpu.CompilerParams(needs_layout_passes=False),
    )(l_input)


def _sc_scatter_body(loc_hbm, emb_hbm, tbl_ref, loc_v, emb_v, rows_v, sem):
    wid = lax.axis_index("s") * 2 + lax.axis_index("c")
    base = wid * LOC_PER_W
    cp0 = pltpu.make_async_copy(loc_hbm.at[pl.ds(base, LOC_PER_W)], loc_v, sem)
    cp0.start()
    pltpu.sync_copy(emb_hbm, emb_v)

    def rep(i, c):
        for k in range(H // 16):
            rows_v[i, pl.ds(k * 16, 16)] = emb_v[pl.ds(k * 16, 16)]
        return c
    lax.fori_loop(0, LOC_PER_W, rep, 0, unroll=2)
    cp0.wait()
    pltpu.async_copy(rows_v, tbl_ref.at[loc_v], sem).wait()


def _sc_scatter(loc_idx, emb_flat, tbl_state):
    mesh = plsc.VectorSubcoreMesh(core_axis_name="c", subcore_axis_name="s")
    return pl.kernel(
        _sc_scatter_body,
        out_type=(),
        mesh=mesh,
        scratch_types=[
            pltpu.VMEM((LOC_PER_W,), jnp.int32),
            pltpu.VMEM((H,), jnp.float32),
            pltpu.VMEM((LOC_PER_W, H), jnp.float32),
            pltpu.SemaphoreType.DMA,
        ],
        compiler_params=pltpu.CompilerParams(needs_layout_passes=False),
    )(loc_idx, emb_flat, tbl_state)


_DN_ROWMAT = (((1,), (0,)), ((), ()))


def _copy_body(l_ref, out_ref):
    out_ref[...] = l_ref[...]


def _tc_copy(l_embed):
    return pl.pallas_call(
        _copy_body,
        grid=(NBLK,),
        in_specs=[pl.BlockSpec((BLK, H), lambda j: (j, 0))],
        out_specs=pl.BlockSpec((BLK, H), lambda j: (j, 0)),
        out_shape=jax.ShapeDtypeStruct((N_ROWS, H), jnp.float32),
        compiler_params=pltpu.CompilerParams(
            dimension_semantics=("parallel",)),
    )(l_embed)


def _sweep_body(part_ref, p_ref, w1_ref, b1_ref, w2_ref, b2_ref, w3_ref,
                b3_ref, out_ref, emb_ref, acc_ref):
    j = pl.program_id(0)

    @pl.when(j == 0)
    def _():
        acc_ref[...] = jnp.zeros_like(acc_ref)

    w = jnp.sum(part_ref[...], axis=0, keepdims=True)
    rows = j * BLK + lax.broadcasted_iota(jnp.int32, (BLK, H), 0)
    pb = jnp.where(rows < N_ROWS, p_ref[...], 0.0)
    acc_ref[...] += lax.dot_general(w, pb, _DN_ROWMAT,
                                    preferred_element_type=jnp.float32)

    @pl.when(j == NBLK - 1)
    def _():
        e = acc_ref[...]
        emb_ref[...] = e
        x = lax.dot_general(e, w1_ref[...], _DN_ROWMAT,
                            preferred_element_type=jnp.float32) + b1_ref[...]
        x = jnp.maximum(x, 0.0)
        x = lax.dot_general(x, w2_ref[...], _DN_ROWMAT,
                            preferred_element_type=jnp.float32) + b2_ref[...]
        x = jnp.maximum(x, 0.0)
        z = lax.dot_general(x, w3_ref[...], _DN_ROWMAT,
                            preferred_element_type=jnp.float32) + b3_ref[...]
        out_ref[...] = 1.0 / (1.0 + jnp.exp(-z))


def _tc_sweep(partials, p_embed, w1, b1, w2, b2, w3, b3):
    full = lambda s: pl.BlockSpec(s, lambda j: (0, 0))
    return pl.pallas_call(
        _sweep_body,
        grid=(NBLK,),
        in_specs=[
            pl.BlockSpec((NW, BLK), lambda j: (0, j)),
            pl.BlockSpec((BLK, H), lambda j: (j, 0)),
            full((H, H // 2)), full((1, H // 2)),
            full((H // 2, H // 4)), full((1, H // 4)),
            full((H // 4, 1)), full((1, 1)),
        ],
        out_specs=[full((1, 1)), full((1, H))],
        out_shape=[jax.ShapeDtypeStruct((1, 1), jnp.float32),
                   jax.ShapeDtypeStruct((1, H), jnp.float32)],
        scratch_shapes=[pltpu.VMEM((1, H), jnp.float32)],
        compiler_params=pltpu.CompilerParams(
            dimension_semantics=("arbitrary",)),
    )(partials, p_embed, w1, b1, w2, b2, w3, b3)


def kernel(locIndexes, l_input, P_embed, L_embed, W1, b1, W2, b2, W3, b3):
    loc = locIndexes.astype(jnp.int32)
    lcopy = _tc_copy(L_embed)
    partials = _sc_hist(l_input.astype(jnp.int32))
    out11, emb = _tc_sweep(partials, P_embed,
                           W1, b1.reshape(1, -1), W2, b2.reshape(1, -1),
                           W3, b3.reshape(1, 1))
    tbl = jax.new_ref(lcopy)
    _sc_scatter(loc, emb.reshape(H), tbl)
    l_new = jax.freeze(tbl)
    return (out11.reshape(()), l_new)

# --- scband reference (transcript-rebuilt; emitter-appended) ---
"""Pipeline reference for scband-location-risk-48876727828817 (READ-ONLY COPY).

The authoritative reference and input builder live on the scoring server;
editing this copy changes nothing except your own understanding.
"""

import jax, jax.numpy as jnp
import numpy as np

LOC_ROWS = 100001  # LOC_NUM + START_IDX
MAN_ROWS = 100001  # MAN_NUM + START_IDX
H = 128            # Lhidden_size == Phidden_size


def setup_inputs(seed: int = 0) -> dict:
    key = jax.random.key(seed)
    ks = jax.random.split(key, 10)
    locIndexes = jax.random.randint(ks[0], (4096,), 0, LOC_ROWS, dtype=jnp.int64 if jax.config.jax_enable_x64 else jnp.int32)
    l_input = jax.random.randint(ks[1], (4096, 200), 0, MAN_ROWS, dtype=jnp.int64 if jax.config.jax_enable_x64 else jnp.int32)
    P_embed = jax.random.uniform(ks[2], (MAN_ROWS, H), dtype=jnp.float32)
    L_embed = jax.random.uniform(ks[3], (LOC_ROWS, H), dtype=jnp.float32)
    W1 = jax.random.normal(ks[4], (H, H // 2), dtype=jnp.float32) * (1.0 / np.sqrt(H))
    b1 = jnp.zeros((H // 2,), dtype=jnp.float32)
    W2 = jax.random.normal(ks[5], (H // 2, H // 4), dtype=jnp.float32) * (1.0 / np.sqrt(H // 2))
    b2 = jnp.zeros((H // 4,), dtype=jnp.float32)
    W3 = jax.random.normal(ks[6], (H // 4, 1), dtype=jnp.float32) * (1.0 / np.sqrt(H // 4))
    b3 = jnp.zeros((1,), dtype=jnp.float32)
    return {"locIndexes": locIndexes, "l_input": l_input, "P_embed": P_embed,
            "L_embed": L_embed, "W1": W1, "b1": b1, "W2": W2, "b2": b2,
            "W3": W3, "b3": b3}


def reference(locIndexes, l_input, P_embed, L_embed, W1, b1, W2, b2, W3, b3):
    # update_L_embed: gather P-embeddings for flattened l_input, sum over axis 0,
    # scatter-overwrite the aggregated vector into L_embed rows at locIndexes.
    l_flatten = l_input.reshape(-1)
    l_aggre_embed = jnp.take(P_embed, l_flatten, axis=0)  # [E, H] gather
    embed_out = jnp.squeeze(jnp.sum(l_aggre_embed, axis=0))  # [H]
    L_embed_new = L_embed.at[locIndexes].set(embed_out)  # scatter-overwrite (broadcast row)
    # Lpredict (dropout is identity at inference)
    x = jax.nn.relu(embed_out @ W1 + b1)
    x = jax.nn.relu(x @ W2 + b2)
    out = jnp.squeeze(jax.nn.sigmoid(x @ W3 + b3))
    return (out, L_embed_new)

if __name__ == "__main__":
    import jax
    _d = setup_inputs()
    print(jax.jit(kernel)(*tuple(_d.values())))

</pallas_src>

<mosaic_0001>
#map = affine_map<(d0, d1) -> (0, 0)>
module attributes {stable_mosaic.version = 14 : i64} {
  func.func @_sc_hist_body(%arg0: i32, %arg1: i32, %arg2: memref<4096x200xi32, #tpu.memory_space<hbm>>, %arg3: memref<32x106496xf32, #tpu.memory_space<hbm>>, %arg4: memref<106496xf32, #tpu.memory_space<vmem>>, %arg5: memref<64x200xi32, #tpu.memory_space<vmem>>, %arg6: memref<!tpu.dma_semaphore, #tpu.memory_space<semaphore_mem>>) attributes {dimension_semantics = [#tpu.dimension_semantics<core_parallel>, #tpu.dimension_semantics<subcore_parallel>], iteration_bounds = array<i64: 2, 16>, scalar_prefetch = 0 : i64, scratch_operands = 3 : i64, tpu.core_type = #tpu.core_type<sc_vector_subcore>, window_params = [{transform_indices = #map}, {transform_indices = #map}]} {
    %mul3A = arith.constant 2 : i32
    %mul3A_0 = arith.muli %arg1, %mul3A : i32
    %add3A = arith.addi %mul3A_0, %arg0 : i32
    %broadcast_in_dim3A = arith.constant 0.000000e+00 : f32
    %broadcast_in_dim3A_1 = vector.broadcast %broadcast_in_dim3A : f32 to vector<16xf32>
    %iota3A = tpu.iota {dimensions = array<i32: 0>} : vector<16xi32>
    %ge3A = arith.constant 8 : i32
    %ge3A_2 = vector.broadcast %ge3A : i32 to vector<16xi32>
    %ge3A_3 = arith.cmpi sge, %iota3A, %ge3A_2 : vector<16xi32>
    %mul3A_4 = arith.constant 128 : i32
    %mul3A_5 = arith.muli %add3A, %mul3A_4 : i32
    %dma_start3A = arith.constant 0 : i32
    %dma_start3A_6 = tpu.memref_slice %arg2[%mul3A_5, %dma_start3A] : memref<4096x200xi32, #tpu.memory_space<hbm>> -> memref<64x200xi32, #tpu.memory_space<hbm>>
    %dma_start3A_7 = arith.constant 0 : i32
    %dma_start3A_8 = tpu.memref_slice %arg2[%mul3A_5, %dma_start3A_7] : memref<4096x200xi32, #tpu.memory_space<hbm>> -> memref<64x200xi32, #tpu.memory_space<hbm>>
    tpu.enqueue_dma source(%dma_start3A_8 : memref<64x200xi32, #tpu.memory_space<hbm>>) target(%arg5 : memref<64x200xi32, #tpu.memory_space<vmem>>) target_semaphore(%arg6 : memref<!tpu.dma_semaphore, #tpu.memory_space<semaphore_mem>>)
    %scan3A = arith.constant 0 : i32
    %scan3A_9 = arith.constant 0 : i32
    %scan3A_10 = arith.constant 6656 : i32
    %scan3A_11 = arith.addi %scan3A_9, %scan3A_10 : i32
    %scan3A_12 = arith.constant 8 : i32
    scf.for %scan3A_33 = %scan3A_9 to %scan3A_11 step %scan3A_12  : i32 {
      %mul3A_34 = arith.constant 16 : i32
      %mul3A_35 = arith.muli %scan3A_33, %mul3A_34 : i32
      %swap3A = arith.index_cast %mul3A_35 : i32 to index
      %swap3A_36 = tpu.vector_load %arg4[%swap3A] {strides = array<i32>} : memref<106496xf32, #tpu.memory_space<vmem>>, vector<16xf32>,
      tpu.vector_store %arg4[%swap3A], %broadcast_in_dim3A_1 {strides = array<i32>} : memref<106496xf32, #tpu.memory_space<vmem>>, vector<16xf32>,
      %scan3A_37 = arith.constant 1 : i32
      %scan3A_38 = arith.addi %scan3A_33, %scan3A_37 : i32
      %mul3A_39 = arith.constant 16 : i32
      %mul3A_40 = arith.muli %scan3A_38, %mul3A_39 : i32
      %swap3A_41 = arith.index_cast %mul3A_40 : i32 to index
      %swap3A_42 = tpu.vector_load %arg4[%swap3A_41] {strides = array<i32>} : memref<106496xf32, #tpu.memory_space<vmem>>, vector<16xf32>,
      tpu.vector_store %arg4[%swap3A_41], %broadcast_in_dim3A_1 {strides = array<i32>} : memref<106496xf32, #tpu.memory_space<vmem>>, vector<16xf32>,
      %scan3A_43 = arith.constant 2 : i32
      %scan3A_44 = arith.addi %scan3A_33, %scan3A_43 : i32
      %mul3A_45 = arith.constant 16 : i32
      %mul3A_46 = arith.muli %scan3A_44, %mul3A_45 : i32
      %swap3A_47 = arith.index_cast %mul3A_46 : i32 to index
      %swap3A_48 = tpu.vector_load %arg4[%swap3A_47] {strides = array<i32>} : memref<106496xf32, #tpu.memory_space<vmem>>, vector<16xf32>,
      tpu.vector_store %arg4[%swap3A_47], %broadcast_in_dim3A_1 {strides = array<i32>} : memref<106496xf32, #tpu.memory_space<vmem>>, vector<16xf32>,
      %scan3A_49 = arith.constant 3 : i32
      %scan3A_50 = arith.addi %scan3A_33, %scan3A_49 : i32
      %mul3A_51 = arith.constant 16 : i32
      %mul3A_52 = arith.muli %scan3A_50, %mul3A_51 : i32
      %swap3A_53 = arith.index_cast %mul3A_52 : i32 to index
      %swap3A_54 = tpu.vector_load %arg4[%swap3A_53] {strides = array<i32>} : memref<106496xf32, #tpu.memory_space<vmem>>, vector<16xf32>,
      tpu.vector_store %arg4[%swap3A_53], %broadcast_in_dim3A_1 {strides = array<i32>} : memref<106496xf32, #tpu.memory_space<vmem>>, vector<16xf32>,
      %scan3A_55 = arith.constant 4 : i32
      %scan3A_56 = arith.addi %scan3A_33, %scan3A_55 : i32
      %mul3A_57 = arith.constant 16 : i32
      %mul3A_58 = arith.muli %scan3A_56, %mul3A_57 : i32
      %swap3A_59 = arith.index_cast %mul3A_58 : i32 to index
      %swap3A_60 = tpu.vector_load %arg4[%swap3A_59] {strides = array<i32>} : memref<106496xf32, #tpu.memory_space<vmem>>, vector<16xf32>,
      tpu.vector_store %arg4[%swap3A_59], %broadcast_in_dim3A_1 {strides = array<i32>} : memref<106496xf32, #tpu.memory_space<vmem>>, vector<16xf32>,
      %scan3A_61 = arith.constant 5 : i32
      %scan3A_62 = arith.addi %scan3A_33, %scan3A_61 : i32
      %mul3A_63 = arith.constant 16 : i32
      %mul3A_64 = arith.muli %scan3A_62, %mul3A_63 : i32
      %swap3A_65 = arith.index_cast %mul3A_64 : i32 to index
      %swap3A_66 = tpu.vector_load %arg4[%swap3A_65] {strides = array<i32>} : memref<106496xf32, #tpu.memory_space<vmem>>, vector<16xf32>,
      tpu.vector_store %arg4[%swap3A_65], %broadcast_in_dim3A_1 {strides = array<i32>} : memref<106496xf32, #tpu.memory_space<vmem>>, vector<16xf32>,
      %scan3A_67 = arith.constant 6 : i32
      %scan3A_68 = arith.addi %scan3A_33, %scan3A_67 : i32
      %mul3A_69 = arith.constant 16 : i32
      %mul3A_70 = arith.muli %scan3A_68, %mul3A_69 : i32
      %swap3A_71 = arith.index_cast %mul3A_70 : i32 to index
      %swap3A_72 = tpu.vector_load %arg4[%swap3A_71] {strides = array<i32>} : memref<106496xf32, #tpu.memory_space<vmem>>, vector<16xf32>,
      tpu.vector_store %arg4[%swap3A_71], %broadcast_in_dim3A_1 {strides = array<i32>} : memref<106496xf32, #tpu.memory_space<vmem>>, vector<16xf32>,
      %scan3A_73 = arith.constant 7 : i32
      %scan3A_74 = arith.addi %scan3A_33, %scan3A_73 : i32
      %mul3A_75 = arith.constant 16 : i32
      %mul3A_76 = arith.muli %scan3A_74, %mul3A_75 : i32
      %swap3A_77 = arith.index_cast %mul3A_76 : i32 to index
      %swap3A_78 = tpu.vector_load %arg4[%swap3A_77] {strides = array<i32>} : memref<106496xf32, #tpu.memory_space<vmem>>, vector<16xf32>,
      tpu.vector_store %arg4[%swap3A_77], %broadcast_in_dim3A_1 {strides = array<i32>} : memref<106496xf32, #tpu.memory_space<vmem>>, vector<16xf32>,
    }
    %scan3A_13 = arith.constant 6656 : i32
    %dma_wait3A = arith.constant 0 : i32
    %dma_wait3A_14 = tpu.memref_slice %arg2[%mul3A_5, %dma_wait3A] : memref<4096x200xi32, #tpu.memory_space<hbm>> -> memref<64x200xi32, #tpu.memory_space<hbm>>
    %dma_wait3A_15 = arith.constant 0 : i32
    %dma_wait3A_16 = tpu.memref_slice %arg2[%mul3A_5, %dma_wait3A_15] : memref<4096x200xi32, #tpu.memory_space<hbm>> -> memref<64x200xi32, #tpu.memory_space<hbm>>
    tpu.wait_dma2 semaphore(%arg6 : memref<!tpu.dma_semaphore, #tpu.memory_space<semaphore_mem>>) src(%dma_wait3A_16 : memref<64x200xi32, #tpu.memory_space<hbm>>) dst(%arg5 : memref<64x200xi32, #tpu.memory_space<vmem>>)
    %scan3A_17 = arith.constant 0 : i32
    %scan3A_18 = arith.constant 0 : i32
    %scan3A_19 = arith.constant 64 : i32
    %scan3A_20 = arith.addi %scan3A_18, %scan3A_19 : i32
    %scan3A_21 = arith.constant 2 : i32
    scf.for %scan3A_33 = %scan3A_18 to %scan3A_20 step %scan3A_21  : i32 {
      %get3A = arith.index_cast %scan3A_33 : i32 to index
      %get3A_34 = arith.constant 0 : index
      %get3A_35 = tpu.vector_load %arg5[%get3A, %get3A_34] {strides = array<i32>} : memref<64x200xi32, #tpu.memory_space<vmem>>, vector<16xi32>,
      %get3A_36 = arith.index_cast %scan3A_33 : i32 to index
      %get3A_37 = arith.constant 16 : index
      %get3A_38 = tpu.vector_load %arg5[%get3A_36, %get3A_37] {strides = array<i32>} : memref<64x200xi32, #tpu.memory_space<vmem>>, vector<16xi32>,
      %get3A_39 = arith.index_cast %scan3A_33 : i32 to index
      %get3A_40 = arith.constant 32 : index
      %get3A_41 = tpu.vector_load %arg5[%get3A_39, %get3A_40] {strides = array<i32>} : memref<64x200xi32, #tpu.memory_space<vmem>>, vector<16xi32>,
      %get3A_42 = arith.index_cast %scan3A_33 : i32 to index
      %get3A_43 = arith.constant 48 : index
      %get3A_44 = tpu.vector_load %arg5[%get3A_42, %get3A_43] {strides = array<i32>} : memref<64x200xi32, #tpu.memory_space<vmem>>, vector<16xi32>,
      %get3A_45 = arith.index_cast %scan3A_33 : i32 to index
      %get3A_46 = arith.constant 64 : index
      %get3A_47 = tpu.vector_load %arg5[%get3A_45, %get3A_46] {strides = array<i32>} : memref<64x200xi32, #tpu.memory_space<vmem>>, vector<16xi32>,
      %get3A_48 = arith.index_cast %scan3A_33 : i32 to index
      %get3A_49 = arith.constant 80 : index
      %get3A_50 = tpu.vector_load %arg5[%get3A_48, %get3A_49] {strides = array<i32>} : memref<64x200xi32, #tpu.memory_space<vmem>>, vector<16xi32>,
      %get3A_51 = arith.index_cast %scan3A_33 : i32 to index
      %get3A_52 = arith.constant 96 : index
      %get3A_53 = tpu.vector_load %arg5[%get3A_51, %get3A_52] {strides = array<i32>} : memref<64x200xi32, #tpu.memory_space<vmem>>, vector<16xi32>,
      %get3A_54 = arith.index_cast %scan3A_33 : i32 to index
      %get3A_55 = arith.constant 112 : index
      %get3A_56 = tpu.vector_load %arg5[%get3A_54, %get3A_55] {strides = array<i32>} : memref<64x200xi32, #tpu.memory_space<vmem>>, vector<16xi32>,
      %get3A_57 = arith.index_cast %scan3A_33 : i32 to index
      %get3A_58 = arith.constant 128 : index
      %get3A_59 = tpu.vector_load %arg5[%get3A_57, %get3A_58] {strides = array<i32>} : memref<64x200xi32, #tpu.memory_space<vmem>>, vector<16xi32>,
      %get3A_60 = arith.index_cast %scan3A_33 : i32 to index
      %get3A_61 = arith.constant 144 : index
      %get3A_62 = tpu.vector_load %arg5[%get3A_60, %get3A_61] {strides = array<i32>} : memref<64x200xi32, #tpu.memory_space<vmem>>, vector<16xi32>,
      %get3A_63 = arith.index_cast %scan3A_33 : i32 to index
      %get3A_64 = arith.constant 160 : index
      %get3A_65 = tpu.vector_load %arg5[%get3A_63, %get3A_64] {strides = array<i32>} : memref<64x200xi32, #tpu.memory_space<vmem>>, vector<16xi32>,
      %get3A_66 = arith.index_cast %scan3A_33 : i32 to index
      %get3A_67 = arith.constant 176 : index
      %get3A_68 = tpu.vector_load %arg5[%get3A_66, %get3A_67] {strides = array<i32>} : memref<64x200xi32, #tpu.memory_space<vmem>>, vector<16xi32>,
      %get3A_69 = arith.index_cast %scan3A_33 : i32 to index
      %get3A_70 = arith.constant 184 : index
      %get3A_71 = tpu.vector_load %arg5[%get3A_69, %get3A_70] {strides = array<i32>} : memref<64x200xi32, #tpu.memory_space<vmem>>, vector<16xi32>,
      %broadcast_in_dim3A_72 = arith.constant true
      %broadcast_in_dim3A_73 = vector.broadcast %broadcast_in_dim3A_72 : i1 to vector<16xi1>
      %unique3A, %unique3A_74 = tpu.scan_count mask(%broadcast_in_dim3A_73 : vector<16xi1>) value(%get3A_35 : vector<16xi32>) : vector<16xi1>, vector<16xi32>
      %broadcast_in_dim3A_75 = arith.constant true
      %broadcast_in_dim3A_76 = vector.broadcast %broadcast_in_dim3A_75 : i1 to vector<16xi1>
      %unique3A_77, %unique3A_78 = tpu.scan_count mask(%broadcast_in_dim3A_76 : vector<16xi1>) value(%get3A_38 : vector<16xi32>) : vector<16xi1>, vector<16xi32>
      %broadcast_in_dim3A_79 = arith.constant true
      %broadcast_in_dim3A_80 = vector.broadcast %broadcast_in_dim3A_79 : i1 to vector<16xi1>
      %unique3A_81, %unique3A_82 = tpu.scan_count mask(%broadcast_in_dim3A_80 : vector<16xi1>) value(%get3A_41 : vector<16xi32>) : vector<16xi1>, vector<16xi32>
      %convert_element_type3A = arith.sitofp %unique3A_74 : vector<16xi32> to vector<16xf32>
      tpu.vector_store_idx %arg4[%get3A_35], %convert_element_type3A masked %unique3A {add = true} : memref<106496xf32, #tpu.memory_space<vmem>>[vector<16xi32>], vector<16xf32>, vector<16xi1>
      %convert_element_type3A_83 = arith.sitofp %unique3A_78 : vector<16xi32> to vector<16xf32>
      tpu.vector_store_idx %arg4[%get3A_38], %convert_element_type3A_83 masked %unique3A_77 {add = true} : memref<106496xf32, #tpu.memory_space<vmem>>[vector<16xi32>], vector<16xf32>, vector<16xi1>
      %convert_element_type3A_84 = arith.sitofp %unique3A_82 : vector<16xi32> to vector<16xf32>
      tpu.vector_store_idx %arg4[%get3A_41], %convert_element_type3A_84 masked %unique3A_81 {add = true} : memref<106496xf32, #tpu.memory_space<vmem>>[vector<16xi32>], vector<16xf32>, vector<16xi1>
      %broadcast_in_dim3A_85 = arith.constant true
      %broadcast_in_dim3A_86 = vector.broadcast %broadcast_in_dim3A_85 : i1 to vector<16xi1>
      %unique3A_87, %unique3A_88 = tpu.scan_count mask(%broadcast_in_dim3A_86 : vector<16xi1>) value(%get3A_44 : vector<16xi32>) : vector<16xi1>, vector<16xi32>
      %broadcast_in_dim3A_89 = arith.constant true
      %broadcast_in_dim3A_90 = vector.broadcast %broadcast_in_dim3A_89 : i1 to vector<16xi1>
      %unique3A_91, %unique3A_92 = tpu.scan_count mask(%broadcast_in_dim3A_90 : vector<16xi1>) value(%get3A_47 : vector<16xi32>) : vector<16xi1>, vector<16xi32>
      %broadcast_in_dim3A_93 = arith.constant true
      %broadcast_in_dim3A_94 = vector.broadcast %broadcast_in_dim3A_93 : i1 to vector<16xi1>
      %unique3A_95, %unique3A_96 = tpu.scan_count mask(%broadcast_in_dim3A_94 : vector<16xi1>) value(%get3A_50 : vector<16xi32>) : vector<16xi1>, vector<16xi32>
      %convert_element_type3A_97 = arith.sitofp %unique3A_88 : vector<16xi32> to vector<16xf32>
      tpu.vector_store_idx %arg4[%get3A_44], %convert_element_type3A_97 masked %unique3A_87 {add = true} : memref<106496xf32, #tpu.memory_space<vmem>>[vector<16xi32>], vector<16xf32>, vector<16xi1>
      %convert_element_type3A_98 = arith.sitofp %unique3A_92 : vector<16xi32> to vector<16xf32>
      tpu.vector_store_idx %arg4[%get3A_47], %convert_element_type3A_98 masked %unique3A_91 {add = true} : memref<106496xf32, #tpu.memory_space<vmem>>[vector<16xi32>], vector<16xf32>, vector<16xi1>
      %convert_element_type3A_99 = arith.sitofp %unique3A_96 : vector<16xi32> to vector<16xf32>
      tpu.vector_store_idx %arg4[%get3A_50], %convert_element_type3A_99 masked %unique3A_95 {add = true} : memref<106496xf32, #tpu.memory_space<vmem>>[vector<16xi32>], vector<16xf32>, vector<16xi1>
      %broadcast_in_dim3A_100 = arith.constant true
      %broadcast_in_dim3A_101 = vector.broadcast %broadcast_in_dim3A_100 : i1 to vector<16xi1>
      %unique3A_102, %unique3A_103 = tpu.scan_count mask(%broadcast_in_dim3A_101 : vector<16xi1>) value(%get3A_53 : vector<16xi32>) : vector<16xi1>, vector<16xi32>
      %broadcast_in_dim3A_104 = arith.constant true
      %broadcast_in_dim3A_105 = vector.broadcast %broadcast_in_dim3A_104 : i1 to vector<16xi1>
      %unique3A_106, %unique3A_107 = tpu.scan_count mask(%broadcast_in_dim3A_105 : vector<16xi1>) value(%get3A_56 : vector<16xi32>) : vector<16xi1>, vector<16xi32>
      %broadcast_in_dim3A_108 = arith.constant true
      %broadcast_in_dim3A_109 = vector.broadcast %broadcast_in_dim3A_108 : i1 to vector<16xi1>
      %unique3A_110, %unique3A_111 = tpu.scan_count mask(%broadcast_in_dim3A_109 : vector<16xi1>) value(%get3A_59 : vector<16xi32>) : vector<16xi1>, vector<16xi32>
      %convert_element_type3A_112 = arith.sitofp %unique3A_103 : vector<16xi32> to vector<16xf32>
      tpu.vector_store_idx %arg4[%get3A_53], %convert_element_type3A_112 masked %unique3A_102 {add = true} : memref<106496xf32, #tpu.memory_space<vmem>>[vector<16xi32>], vector<16xf32>, vector<16xi1>
      %convert_element_type3A_113 = arith.sitofp %unique3A_107 : vector<16xi32> to vector<16xf32>
      tpu.vector_store_idx %arg4[%get3A_56], %convert_element_type3A_113 masked %unique3A_106 {add = true} : memref<106496xf32, #tpu.memory_space<vmem>>[vector<16xi32>], vector<16xf32>, vector<16xi1>
      %convert_element_type3A_114 = arith.sitofp %unique3A_111 : vector<16xi32> to vector<16xf32>
      tpu.vector_store_idx %arg4[%get3A_59], %convert_element_type3A_114 masked %unique3A_110 {add = true} : memref<106496xf32, #tpu.memory_space<vmem>>[vector<16xi32>], vector<16xf32>, vector<16xi1>
      %broadcast_in_dim3A_115 = arith.constant true
      %broadcast_in_dim3A_116 = vector.broadcast %broadcast_in_dim3A_115 : i1 to vector<16xi1>
      %unique3A_117, %unique3A_118 = tpu.scan_count mask(%broadcast_in_dim3A_116 : vector<16xi1>) value(%get3A_62 : vector<16xi32>) : vector<16xi1>, vector<16xi32>
      %broadcast_in_dim3A_119 = arith.constant true
      %broadcast_in_dim3A_120 = vector.broadcast %broadcast_in_dim3A_119 : i1 to vector<16xi1>
      %unique3A_121, %unique3A_122 = tpu.scan_count mask(%broadcast_in_dim3A_120 : vector<16xi1>) value(%get3A_65 : vector<16xi32>) : vector<16xi1>, vector<16xi32>
      %broadcast_in_dim3A_123 = arith.constant true
      %broadcast_in_dim3A_124 = vector.broadcast %broadcast_in_dim3A_123 : i1 to vector<16xi1>
      %unique3A_125, %unique3A_126 = tpu.scan_count mask(%broadcast_in_dim3A_124 : vector<16xi1>) value(%get3A_68 : vector<16xi32>) : vector<16xi1>, vector<16xi32>
      %convert_element_type3A_127 = arith.sitofp %unique3A_118 : vector<16xi32> to vector<16xf32>
      tpu.vector_store_idx %arg4[%get3A_62], %convert_element_type3A_127 masked %unique3A_117 {add = true} : memref<106496xf32, #tpu.memory_space<vmem>>[vector<16xi32>], vector<16xf32>, vector<16xi1>
      %convert_element_type3A_128 = arith.sitofp %unique3A_122 : vector<16xi32> to vector<16xf32>
      tpu.vector_store_idx %arg4[%get3A_65], %convert_element_type3A_128 masked %unique3A_121 {add = true} : memref<106496xf32, #tpu.memory_space<vmem>>[vector<16xi32>], vector<16xf32>, vector<16xi1>
      %convert_element_type3A_129 = arith.sitofp %unique3A_126 : vector<16xi32> to vector<16xf32>
      tpu.vector_store_idx %arg4[%get3A_68], %convert_element_type3A_129 masked %unique3A_125 {add = true} : memref<106496xf32, #tpu.memory_space<vmem>>[vector<16xi32>], vector<16xf32>, vector<16xi1>
      %unique3A_130, %unique3A_131 = tpu.scan_count mask(%ge3A_3 : vector<16xi1>) value(%get3A_71 : vector<16xi32>) : vector<16xi1>, vector<16xi32>
      %convert_element_type3A_132 = arith.sitofp %unique3A_131 : vector<16xi32> to vector<16xf32>
      %and3A = arith.andi %unique3A_130, %ge3A_3 : vector<16xi1>
      tpu.vector_store_idx %arg4[%get3A_71], %convert_element_type3A_132 masked %and3A {add = true} : memref<106496xf32, #tpu.memory_space<vmem>>[vector<16xi32>], vector<16xf32>, vector<16xi1>
      %scan3A_133 = arith.constant 1 : i32
      %scan3A_134 = arith.addi %scan3A_33, %scan3A_133 : i32
      %get3A_135 = arith.index_cast %scan3A_134 : i32 to index
      %get3A_136 = arith.constant 0 : index
      %get3A_137 = tpu.vector_load %arg5[%get3A_135, %get3A_136] {strides = array<i32>} : memref<64x200xi32, #tpu.memory_space<vmem>>, vector<16xi32>,
      %get3A_138 = arith.index_cast %scan3A_134 : i32 to index
      %get3A_139 = arith.constant 16 : index
      %get3A_140 = tpu.vector_load %arg5[%get3A_138, %get3A_139] {strides = array<i32>} : memref<64x200xi32, #tpu.memory_space<vmem>>, vector<16xi32>,
      %get3A_141 = arith.index_cast %scan3A_134 : i32 to index
      %get3A_142 = arith.constant 32 : index
      %get3A_143 = tpu.vector_load %arg5[%get3A_141, %get3A_142] {strides = array<i32>} : memref<64x200xi32, #tpu.memory_space<vmem>>, vector<16xi32>,
      %get3A_144 = arith.index_cast %scan3A_134 : i32 to index
      %get3A_145 = arith.constant 48 : index
      %get3A_146 = tpu.vector_load %arg5[%get3A_144, %get3A_145] {strides = array<i32>} : memref<64x200xi32, #tpu.memory_space<vmem>>, vector<16xi32>,
      %get3A_147 = arith.index_cast %scan3A_134 : i32 to index
      %get3A_148 = arith.constant 64 : index
      %get3A_149 = tpu.vector_load %arg5[%get3A_147, %get3A_148] {strides = array<i32>} : memref<64x200xi32, #tpu.memory_space<vmem>>, vector<16xi32>,
      %get3A_150 = arith.index_cast %scan3A_134 : i32 to index
      %get3A_151 = arith.constant 80 : index
      %get3A_152 = tpu.vector_load %arg5[%get3A_150, %get3A_151] {strides = array<i32>} : memref<64x200xi32, #tpu.memory_space<vmem>>, vector<16xi32>,
      %get3A_153 = arith.index_cast %scan3A_134 : i32 to index
      %get3A_154 = arith.constant 96 : index
      %get3A_155 = tpu.vector_load %arg5[%get3A_153, %get3A_154] {strides = array<i32>} : memref<64x200xi32, #tpu.memory_space<vmem>>, vector<16xi32>,
      %get3A_156 = arith.index_cast %scan3A_134 : i32 to index
      %get3A_157 = arith.constant 112 : index
      %get3A_158 = tpu.vector_load %arg5[%get3A_156, %get3A_157] {strides = array<i32>} : memref<64x200xi32, #tpu.memory_space<vmem>>, vector<16xi32>,
      %get3A_159 = arith.index_cast %scan3A_134 : i32 to index
      %get3A_160 = arith.constant 128 : index
      %get3A_161 = tpu.vector_load %arg5[%get3A_159, %get3A_160] {strides = array<i32>} : memref<64x200xi32, #tpu.memory_space<vmem>>, vector<16xi32>,
      %get3A_162 = arith.index_cast %scan3A_134 : i32 to index
      %get3A_163 = arith.constant 144 : index
      %get3A_164 = tpu.vector_load %arg5[%get3A_162, %get3A_163] {strides = array<i32>} : memref<64x200xi32, #tpu.memory_space<vmem>>, vector<16xi32>,
      %get3A_165 = arith.index_cast %scan3A_134 : i32 to index
      %get3A_166 = arith.constant 160 : index
      %get3A_167 = tpu.vector_load %arg5[%get3A_165, %get3A_166] {strides = array<i32>} : memref<64x200xi32, #tpu.memory_space<vmem>>, vector<16xi32>,
      %get3A_168 = arith.index_cast %scan3A_134 : i32 to index
      %get3A_169 = arith.constant 176 : index
      %get3A_170 = tpu.vector_load %arg5[%get3A_168, %get3A_169] {strides = array<i32>} : memref<64x200xi32, #tpu.memory_space<vmem>>, vector<16xi32>,
      %get3A_171 = arith.index_cast %scan3A_134 : i32 to index
      %get3A_172 = arith.constant 184 : index
      %get3A_173 = tpu.vector_load %arg5[%get3A_171, %get3A_172] {strides = array<i32>} : memref<64x200xi32, #tpu.memory_space<vmem>>, vector<16xi32>,
      %broadcast_in_dim3A_174 = arith.constant true
      %broadcast_in_dim3A_175 = vector.broadcast %broadcast_in_dim3A_174 : i1 to vector<16xi1>
      %unique3A_176, %unique3A_177 = tpu.scan_count mask(%broadcast_in_dim3A_175 : vector<16xi1>) value(%get3A_137 : vector<16xi32>) : vector<16xi1>, vector<16xi32>
      %broadcast_in_dim3A_178 = arith.constant true
      %broadcast_in_dim3A_179 = vector.broadcast %broadcast_in_dim3A_178 : i1 to vector<16xi1>
      %unique3A_180, %unique3A_181 = tpu.scan_count mask(%broadcast_in_dim3A_179 : vector<16xi1>) value(%get3A_140 : vector<16xi32>) : vector<16xi1>, vector<16xi32>
      %broadcast_in_dim3A_182 = arith.constant true
      %broadcast_in_dim3A_183 = vector.broadcast %broadcast_in_dim3A_182 : i1 to vector<16xi1>
      %unique3A_184, %unique3A_185 = tpu.scan_count mask(%broadcast_in_dim3A_183 : vector<16xi1>) value(%get3A_143 : vector<16xi32>) : vector<16xi1>, vector<16xi32>
      %convert_element_type3A_186 = arith.sitofp %unique3A_177 : vector<16xi32> to vector<16xf32>
      tpu.vector_store_idx %arg4[%get3A_137], %convert_element_type3A_186 masked %unique3A_176 {add = true} : memref<106496xf32, #tpu.memory_space<vmem>>[vector<16xi32>], vector<16xf32>, vector<16xi1>
      %convert_element_type3A_187 = arith.sitofp %unique3A_181 : vector<16xi32> to vector<16xf32>
      tpu.vector_store_idx %arg4[%get3A_140], %convert_element_type3A_187 masked %unique3A_180 {add = true} : memref<106496xf32, #tpu.memory_space<vmem>>[vector<16xi32>], vector<16xf32>, vector<16xi1>
      %convert_element_type3A_188 = arith.sitofp %unique3A_185 : vector<16xi32> to vector<16xf32>
      tpu.vector_store_idx %arg4[%get3A_143], %convert_element_type3A_188 masked %unique3A_184 {add = true} : memref<106496xf32, #tpu.memory_space<vmem>>[vector<16xi32>], vector<16xf32>, vector<16xi1>
      %broadcast_in_dim3A_189 = arith.constant true
      %broadcast_in_dim3A_190 = vector.broadcast %broadcast_in_dim3A_189 : i1 to vector<16xi1>
      %unique3A_191, %unique3A_192 = tpu.scan_count mask(%broadcast_in_dim3A_190 : vector<16xi1>) value(%get3A_146 : vector<16xi32>) : vector<16xi1>, vector<16xi32>
      %broadcast_in_dim3A_193 = arith.constant true
      %broadcast_in_dim3A_194 = vector.broadcast %broadcast_in_dim3A_193 : i1 to vector<16xi1>
      %unique3A_195, %unique3A_196 = tpu.scan_count mask(%broadcast_in_dim3A_194 : vector<16xi1>) value(%get3A_149 : vector<16xi32>) : vector<16xi1>, vector<16xi32>
      %broadcast_in_dim3A_197 = arith.constant true
      %broadcast_in_dim3A_198 = vector.broadcast %broadcast_in_dim3A_197 : i1 to vector<16xi1>
      %unique3A_199, %unique3A_200 = tpu.scan_count mask(%broadcast_in_dim3A_198 : vector<16xi1>) value(%get3A_152 : vector<16xi32>) : vector<16xi1>, vector<16xi32>
      %convert_element_type3A_201 = arith.sitofp %unique3A_192 : vector<16xi32> to vector<16xf32>
      tpu.vector_store_idx %arg4[%get3A_146], %convert_element_type3A_201 masked %unique3A_191 {add = true} : memref<106496xf32, #tpu.memory_space<vmem>>[vector<16xi32>], vector<16xf32>, vector<16xi1>
      %convert_element_type3A_202 = arith.sitofp %unique3A_196 : vector<16xi32> to vector<16xf32>
      tpu.vector_store_idx %arg4[%get3A_149], %convert_element_type3A_202 masked %unique3A_195 {add = true} : memref<106496xf32, #tpu.memory_space<vmem>>[vector<16xi32>], vector<16xf32>, vector<16xi1>
      %convert_element_type3A_203 = arith.sitofp %unique3A_200 : vector<16xi32> to vector<16xf32>
      tpu.vector_store_idx %arg4[%get3A_152], %convert_element_type3A_203 masked %unique3A_199 {add = true} : memref<106496xf32, #tpu.memory_space<vmem>>[vector<16xi32>], vector<16xf32>, vector<16xi1>
      %broadcast_in_dim3A_204 = arith.constant true
      %broadcast_in_dim3A_205 = vector.broadcast %broadcast_in_dim3A_204 : i1 to vector<16xi1>
      %unique3A_206, %unique3A_207 = tpu.scan_count mask(%broadcast_in_dim3A_205 : vector<16xi1>) value(%get3A_155 : vector<16xi32>) : vector<16xi1>, vector<16xi32>
      %broadcast_in_dim3A_208 = arith.constant true
      %broadcast_in_dim3A_209 = vector.broadcast %broadcast_in_dim3A_208 : i1 to vector<16xi1>
      %unique3A_210, %unique3A_211 = tpu.scan_count mask(%broadcast_in_dim3A_209 : vector<16xi1>) value(%get3A_158 : vector<16xi32>) : vector<16xi1>, vector<16xi32>
      %broadcast_in_dim3A_212 = arith.constant true
      %broadcast_in_dim3A_213 = vector.broadcast %broadcast_in_dim3A_212 : i1 to vector<16xi1>
      %unique3A_214, %unique3A_215 = tpu.scan_count mask(%broadcast_in_dim3A_213 : vector<16xi1>) value(%get3A_161 : vector<16xi32>) : vector<16xi1>, vector<16xi32>
      %convert_element_type3A_216 = arith.sitofp %unique3A_207 : vector<16xi32> to vector<16xf32>
      tpu.vector_store_idx %arg4[%get3A_155], %convert_element_type3A_216 masked %unique3A_206 {add = true} : memref<106496xf32, #tpu.memory_space<vmem>>[vector<16xi32>], vector<16xf32>, vector<16xi1>
      %convert_element_type3A_217 = arith.sitofp %unique3A_211 : vector<16xi32> to vector<16xf32>
      tpu.vector_store_idx %arg4[%get3A_158], %convert_element_type3A_217 masked %unique3A_210 {add = true} : memref<106496xf32, #tpu.memory_space<vmem>>[vector<16xi32>], vector<16xf32>, vector<16xi1>
      %convert_element_type3A_218 = arith.sitofp %unique3A_215 : vector<16xi32> to vector<16xf32>
      tpu.vector_store_idx %arg4[%get3A_161], %convert_element_type3A_218 masked %unique3A_214 {add = true} : memref<106496xf32, #tpu.memory_space<vmem>>[vector<16xi32>], vector<16xf32>, vector<16xi1>
      %broadcast_in_dim3A_219 = arith.constant true
      %broadcast_in_dim3A_220 = vector.broadcast %broadcast_in_dim3A_219 : i1 to vector<16xi1>
      %unique3A_221, %unique3A_222 = tpu.scan_count mask(%broadcast_in_dim3A_220 : vector<16xi1>) value(%get3A_164 : vector<16xi32>) : vector<16xi1>, vector<16xi32>
      %broadcast_in_dim3A_223 = arith.constant true
      %broadcast_in_dim3A_224 = vector.broadcast %broadcast_in_dim3A_223 : i1 to vector<16xi1>
      %unique3A_225, %unique3A_226 = tpu.scan_count mask(%broadcast_in_dim3A_224 : vector<16xi1>) value(%get3A_167 : vector<16xi32>) : vector<16xi1>, vector<16xi32>
      %broadcast_in_dim3A_227 = arith.constant true
      %broadcast_in_dim3A_228 = vector.broadcast %broadcast_in_dim3A_227 : i1 to vector<16xi1>
      %unique3A_229, %unique3A_230 = tpu.scan_count mask(%broadcast_in_dim3A_228 : vector<16xi1>) value(%get3A_170 : vector<16xi32>) : vector<16xi1>, vector<16xi32>
      %convert_element_type3A_231 = arith.sitofp %unique3A_222 : vector<16xi32> to vector<16xf32>
      tpu.vector_store_idx %arg4[%get3A_164], %convert_element_type3A_231 masked %unique3A_221 {add = true} : memref<106496xf32, #tpu.memory_space<vmem>>[vector<16xi32>], vector<16xf32>, vector<16xi1>
      %convert_element_type3A_232 = arith.sitofp %unique3A_226 : vector<16xi32> to vector<16xf32>
      tpu.vector_store_idx %arg4[%get3A_167], %convert_element_type3A_232 masked %unique3A_225 {add = true} : memref<106496xf32, #tpu.memory_space<vmem>>[vector<16xi32>], vector<16xf32>, vector<16xi1>
      %convert_element_type3A_233 = arith.sitofp %unique3A_230 : vector<16xi32> to vector<16xf32>
      tpu.vector_store_idx %arg4[%get3A_170], %convert_element_type3A_233 masked %unique3A_229 {add = true} : memref<106496xf32, #tpu.memory_space<vmem>>[vector<16xi32>], vector<16xf32>, vector<16xi1>
      %unique3A_234, %unique3A_235 = tpu.scan_count mask(%ge3A_3 : vector<16xi1>) value(%get3A_173 : vector<16xi32>) : vector<16xi1>, vector<16xi32>
      %convert_element_type3A_236 = arith.sitofp %unique3A_235 : vector<16xi32> to vector<16xf32>
      %and3A_237 = arith.andi %unique3A_234, %ge3A_3 : vector<16xi1>
      tpu.vector_store_idx %arg4[%get3A_173], %convert_element_type3A_236 masked %and3A_237 {add = true} : memref<106496xf32, #tpu.memory_space<vmem>>[vector<16xi32>], vector<16xf32>, vector<16xi1>
    }
    %scan3A_22 = arith.constant 64 : i32
    %mul3A_23 = arith.constant 128 : i32
    %mul3A_24 = arith.muli %add3A, %mul3A_23 : i32
    %add3A_25 = arith.constant 64 : i32
    %add3A_26 = arith.addi %mul3A_24, %add3A_25 : i32
    "tpu.region"() ({
      %run_scoped3A = tpu.sem_alloc : memref<!tpu.dma_semaphore, #tpu.memory_space<semaphore_mem>>
      %dma_start3A_33 = arith.constant 0 : i32
      %dma_start3A_34 = tpu.memref_slice %arg2[%add3A_26, %dma_start3A_33] : memref<4096x200xi32, #tpu.memory_space<hbm>> -> memref<64x200xi32, #tpu.memory_space<hbm>>
      %dma_start3A_35 = arith.constant 0 : i32
      %dma_start3A_36 = tpu.memref_slice %arg2[%add3A_26, %dma_start3A_35] : memref<4096x200xi32, #tpu.memory_space<hbm>> -> memref<64x200xi32, #tpu.memory_space<hbm>>
      tpu.enqueue_dma source(%dma_start3A_36 : memref<64x200xi32, #tpu.memory_space<hbm>>) target(%arg5 : memref<64x200xi32, #tpu.memory_space<vmem>>) target_semaphore(%run_scoped3A : memref<!tpu.dma_semaphore, #tpu.memory_space<semaphore_mem>>)
      %dma_wait3A_37 = arith.constant 0 : i32
      %dma_wait3A_38 = tpu.memref_slice %arg2[%add3A_26, %dma_wait3A_37] : memref<4096x200xi32, #tpu.memory_space<hbm>> -> memref<64x200xi32, #tpu.memory_space<hbm>>
      %dma_wait3A_39 = arith.constant 0 : i32
      %dma_wait3A_40 = tpu.memref_slice %arg2[%add3A_26, %dma_wait3A_39] : memref<4096x200xi32, #tpu.memory_space<hbm>> -> memref<64x200xi32, #tpu.memory_space<hbm>>
      tpu.wait_dma2 semaphore(%run_scoped3A : memref<!tpu.dma_semaphore, #tpu.memory_space<semaphore_mem>>) src(%dma_wait3A_40 : memref<64x200xi32, #tpu.memory_space<hbm>>) dst(%arg5 : memref<64x200xi32, #tpu.memory_space<vmem>>)
      tpu.yield
    }) : () -> ()
    %scan3A_27 = arith.constant 0 : i32
    %scan3A_28 = arith.constant 0 : i32
    %scan3A_29 = arith.constant 64 : i32
    %scan3A_30 = arith.addi %scan3A_28, %scan3A_29 : i32
    %scan3A_31 = arith.constant 2 : i32
    scf.for %scan3A_33 = %scan3A_28 to %scan3A_30 step %scan3A_31  : i32 {
      %get3A = arith.index_cast %scan3A_33 : i32 to index
      %get3A_34 = arith.constant 0 : index
      %get3A_35 = tpu.vector_load %arg5[%get3A, %get3A_34] {strides = array<i32>} : memref<64x200xi32, #tpu.memory_space<vmem>>, vector<16xi32>,
      %get3A_36 = arith.index_cast %scan3A_33 : i32 to index
      %get3A_37 = arith.constant 16 : index
      %get3A_38 = tpu.vector_load %arg5[%get3A_36, %get3A_37] {strides = array<i32>} : memref<64x200xi32, #tpu.memory_space<vmem>>, vector<16xi32>,
      %get3A_39 = arith.index_cast %scan3A_33 : i32 to index
      %get3A_40 = arith.constant 32 : index
      %get3A_41 = tpu.vector_load %arg5[%get3A_39, %get3A_40] {strides = array<i32>} : memref<64x200xi32, #tpu.memory_space<vmem>>, vector<16xi32>,
      %get3A_42 = arith.index_cast %scan3A_33 : i32 to index
      %get3A_43 = arith.constant 48 : index
      %get3A_44 = tpu.vector_load %arg5[%get3A_42, %get3A_43] {strides = array<i32>} : memref<64x200xi32, #tpu.memory_space<vmem>>, vector<16xi32>,
      %get3A_45 = arith.index_cast %scan3A_33 : i32 to index
      %get3A_46 = arith.constant 64 : index
      %get3A_47 = tpu.vector_load %arg5[%get3A_45, %get3A_46] {strides = array<i32>} : memref<64x200xi32, #tpu.memory_space<vmem>>, vector<16xi32>,
      %get3A_48 = arith.index_cast %scan3A_33 : i32 to index
      %get3A_49 = arith.constant 80 : index
      %get3A_50 = tpu.vector_load %arg5[%get3A_48, %get3A_49] {strides = array<i32>} : memref<64x200xi32, #tpu.memory_space<vmem>>, vector<16xi32>,
      %get3A_51 = arith.index_cast %scan3A_33 : i32 to index
      %get3A_52 = arith.constant 96 : index
      %get3A_53 = tpu.vector_load %arg5[%get3A_51, %get3A_52] {strides = array<i32>} : memref<64x200xi32, #tpu.memory_space<vmem>>, vector<16xi32>,
      %get3A_54 = arith.index_cast %scan3A_33 : i32 to index
      %get3A_55 = arith.constant 112 : index
      %get3A_56 = tpu.vector_load %arg5[%get3A_54, %get3A_55] {strides = array<i32>} : memref<64x200xi32, #tpu.memory_space<vmem>>, vector<16xi32>,
      %get3A_57 = arith.index_cast %scan3A_33 : i32 to index
      %get3A_58 = arith.constant 128 : index
      %get3A_59 = tpu.vector_load %arg5[%get3A_57, %get3A_58] {strides = array<i32>} : memref<64x200xi32, #tpu.memory_space<vmem>>, vector<16xi32>,
      %get3A_60 = arith.index_cast %scan3A_33 : i32 to index
      %get3A_61 = arith.constant 144 : index
      %get3A_62 = tpu.vector_load %arg5[%get3A_60, %get3A_61] {strides = array<i32>} : memref<64x200xi32, #tpu.memory_space<vmem>>, vector<16xi32>,
      %get3A_63 = arith.index_cast %scan3A_33 : i32 to index
      %get3A_64 = arith.constant 160 : index
      %get3A_65 = tpu.vector_load %arg5[%get3A_63, %get3A_64] {strides = array<i32>} : memref<64x200xi32, #tpu.memory_space<vmem>>, vector<16xi32>,
      %get3A_66 = arith.index_cast %scan3A_33 : i32 to index
      %get3A_67 = arith.constant 176 : index
      %get3A_68 = tpu.vector_load %arg5[%get3A_66, %get3A_67] {strides = array<i32>} : memref<64x200xi32, #tpu.memory_space<vmem>>, vector<16xi32>,
      %get3A_69 = arith.index_cast %scan3A_33 : i32 to index
      %get3A_70 = arith.constant 184 : index
      %get3A_71 = tpu.vector_load %arg5[%get3A_69, %get3A_70] {strides = array<i32>} : memref<64x200xi32, #tpu.memory_space<vmem>>, vector<16xi32>,
      %broadcast_in_dim3A_72 = arith.constant true
      %broadcast_in_dim3A_73 = vector.broadcast %broadcast_in_dim3A_72 : i1 to vector<16xi1>
      %unique3A, %unique3A_74 = tpu.scan_count mask(%broadcast_in_dim3A_73 : vector<16xi1>) value(%get3A_35 : vector<16xi32>) : vector<16xi1>, vector<16xi32>
      %broadcast_in_dim3A_75 = arith.constant true
      %broadcast_in_dim3A_76 = vector.broadcast %broadcast_in_dim3A_75 : i1 to vector<16xi1>
      %unique3A_77, %unique3A_78 = tpu.scan_count mask(%broadcast_in_dim3A_76 : vector<16xi1>) value(%get3A_38 : vector<16xi32>) : vector<16xi1>, vector<16xi32>
      %broadcast_in_dim3A_79 = arith.constant true
      %broadcast_in_dim3A_80 = vector.broadcast %broadcast_in_dim3A_79 : i1 to vector<16xi1>
      %unique3A_81, %unique3A_82 = tpu.scan_count mask(%broadcast_in_dim3A_80 : vector<16xi1>) value(%get3A_41 : vector<16xi32>) : vector<16xi1>, vector<16xi32>
      %convert_element_type3A = arith.sitofp %unique3A_74 : vector<16xi32> to vector<16xf32>
      tpu.vector_store_idx %arg4[%get3A_35], %convert_element_type3A masked %unique3A {add = true} : memref<106496xf32, #tpu.memory_space<vmem>>[vector<16xi32>], vector<16xf32>, vector<16xi1>
      %convert_element_type3A_83 = arith.sitofp %unique3A_78 : vector<16xi32> to vector<16xf32>
      tpu.vector_store_idx %arg4[%get3A_38], %convert_element_type3A_83 masked %unique3A_77 {add = true} : memref<106496xf32, #tpu.memory_space<vmem>>[vector<16xi32>], vector<16xf32>, vector<16xi1>
      %convert_element_type3A_84 = arith.sitofp %unique3A_82 : vector<16xi32> to vector<16xf32>
      tpu.vector_store_idx %arg4[%get3A_41], %convert_element_type3A_84 masked %unique3A_81 {add = true} : memref<106496xf32, #tpu.memory_space<vmem>>[vector<16xi32>], vector<16xf32>, vector<16xi1>
      %broadcast_in_dim3A_85 = arith.constant true
      %broadcast_in_dim3A_86 = vector.broadcast %broadcast_in_dim3A_85 : i1 to vector<16xi1>
      %unique3A_87, %unique3A_88 = tpu.scan_count mask(%broadcast_in_dim3A_86 : vector<16xi1>) value(%get3A_44 : vector<16xi32>) : vector<16xi1>, vector<16xi32>
      %broadcast_in_dim3A_89 = arith.constant true
      %broadcast_in_dim3A_90 = vector.broadcast %broadcast_in_dim3A_89 : i1 to vector<16xi1>
      %unique3A_91, %unique3A_92 = tpu.scan_count mask(%broadcast_in_dim3A_90 : vector<16xi1>) value(%get3A_47 : vector<16xi32>) : vector<16xi1>, vector<16xi32>
      %broadcast_in_dim3A_93 = arith.constant true
      %broadcast_in_dim3A_94 = vector.broadcast %broadcast_in_dim3A_93 : i1 to vector<16xi1>
      %unique3A_95, %unique3A_96 = tpu.scan_count mask(%broadcast_in_dim3A_94 : vector<16xi1>) value(%get3A_50 : vector<16xi32>) : vector<16xi1>, vector<16xi32>
      %convert_element_type3A_97 = arith.sitofp %unique3A_88 : vector<16xi32> to vector<16xf32>
      tpu.vector_store_idx %arg4[%get3A_44], %convert_element_type3A_97 masked %unique3A_87 {add = true} : memref<106496xf32, #tpu.memory_space<vmem>>[vector<16xi32>], vector<16xf32>, vector<16xi1>
      %convert_element_type3A_98 = arith.sitofp %unique3A_92 : vector<16xi32> to vector<16xf32>
      tpu.vector_store_idx %arg4[%get3A_47], %convert_element_type3A_98 masked %unique3A_91 {add = true} : memref<106496xf32, #tpu.memory_space<vmem>>[vector<16xi32>], vector<16xf32>, vector<16xi1>
      %convert_element_type3A_99 = arith.sitofp %unique3A_96 : vector<16xi32> to vector<16xf32>
      tpu.vector_store_idx %arg4[%get3A_50], %convert_element_type3A_99 masked %unique3A_95 {add = true} : memref<106496xf32, #tpu.memory_space<vmem>>[vector<16xi32>], vector<16xf32>, vector<16xi1>
      %broadcast_in_dim3A_100 = arith.constant true
      %broadcast_in_dim3A_101 = vector.broadcast %broadcast_in_dim3A_100 : i1 to vector<16xi1>
      %unique3A_102, %unique3A_103 = tpu.scan_count mask(%broadcast_in_dim3A_101 : vector<16xi1>) value(%get3A_53 : vector<16xi32>) : vector<16xi1>, vector<16xi32>
      %broadcast_in_dim3A_104 = arith.constant true
      %broadcast_in_dim3A_105 = vector.broadcast %broadcast_in_dim3A_104 : i1 to vector<16xi1>
      %unique3A_106, %unique3A_107 = tpu.scan_count mask(%broadcast_in_dim3A_105 : vector<16xi1>) value(%get3A_56 : vector<16xi32>) : vector<16xi1>, vector<16xi32>
      %broadcast_in_dim3A_108 = arith.constant true
      %broadcast_in_dim3A_109 = vector.broadcast %broadcast_in_dim3A_108 : i1 to vector<16xi1>
      %unique3A_110, %unique3A_111 = tpu.scan_count mask(%broadcast_in_dim3A_109 : vector<16xi1>) value(%get3A_59 : vector<16xi32>) : vector<16xi1>, vector<16xi32>
      %convert_element_type3A_112 = arith.sitofp %unique3A_103 : vector<16xi32> to vector<16xf32>
      tpu.vector_store_idx %arg4[%get3A_53], %convert_element_type3A_112 masked %unique3A_102 {add = true} : memref<106496xf32, #tpu.memory_space<vmem>>[vector<16xi32>], vector<16xf32>, vector<16xi1>
      %convert_element_type3A_113 = arith.sitofp %unique3A_107 : vector<16xi32> to vector<16xf32>
      tpu.vector_store_idx %arg4[%get3A_56], %convert_element_type3A_113 masked %unique3A_106 {add = true} : memref<106496xf32, #tpu.memory_space<vmem>>[vector<16xi32>], vector<16xf32>, vector<16xi1>
      %convert_element_type3A_114 = arith.sitofp %unique3A_111 : vector<16xi32> to vector<16xf32>
      tpu.vector_store_idx %arg4[%get3A_59], %convert_element_type3A_114 masked %unique3A_110 {add = true} : memref<106496xf32, #tpu.memory_space<vmem>>[vector<16xi32>], vector<16xf32>, vector<16xi1>
      %broadcast_in_dim3A_115 = arith.constant true
      %broadcast_in_dim3A_116 = vector.broadcast %broadcast_in_dim3A_115 : i1 to vector<16xi1>
      %unique3A_117, %unique3A_118 = tpu.scan_count mask(%broadcast_in_dim3A_116 : vector<16xi1>) value(%get3A_62 : vector<16xi32>) : vector<16xi1>, vector<16xi32>
      %broadcast_in_dim3A_119 = arith.constant true
      %broadcast_in_dim3A_120 = vector.broadcast %broadcast_in_dim3A_119 : i1 to vector<16xi1>
      %unique3A_121, %unique3A_122 = tpu.scan_count mask(%broadcast_in_dim3A_120 : vector<16xi1>) value(%get3A_65 : vector<16xi32>) : vector<16xi1>, vector<16xi32>
      %broadcast_in_dim3A_123 = arith.constant true
      %broadcast_in_dim3A_124 = vector.broadcast %broadcast_in_dim3A_123 : i1 to vector<16xi1>
      %unique3A_125, %unique3A_126 = tpu.scan_count mask(%broadcast_in_dim3A_124 : vector<16xi1>) value(%get3A_68 : vector<16xi32>) : vector<16xi1>, vector<16xi32>
      %convert_element_type3A_127 = arith.sitofp %unique3A_118 : vector<16xi32> to vector<16xf32>
      tpu.vector_store_idx %arg4[%get3A_62], %convert_element_type3A_127 masked %unique3A_117 {add = true} : memref<106496xf32, #tpu.memory_space<vmem>>[vector<16xi32>], vector<16xf32>, vector<16xi1>
      %convert_element_type3A_128 = arith.sitofp %unique3A_122 : vector<16xi32> to vector<16xf32>
      tpu.vector_store_idx %arg4[%get3A_65], %convert_element_type3A_128 masked %unique3A_121 {add = true} : memref<106496xf32, #tpu.memory_space<vmem>>[vector<16xi32>], vector<16xf32>, vector<16xi1>
      %convert_element_type3A_129 = arith.sitofp %unique3A_126 : vector<16xi32> to vector<16xf32>
      tpu.vector_store_idx %arg4[%get3A_68], %convert_element_type3A_129 masked %unique3A_125 {add = true} : memref<106496xf32, #tpu.memory_space<vmem>>[vector<16xi32>], vector<16xf32>, vector<16xi1>
      %unique3A_130, %unique3A_131 = tpu.scan_count mask(%ge3A_3 : vector<16xi1>) value(%get3A_71 : vector<16xi32>) : vector<16xi1>, vector<16xi32>
      %convert_element_type3A_132 = arith.sitofp %unique3A_131 : vector<16xi32> to vector<16xf32>
      %and3A = arith.andi %unique3A_130, %ge3A_3 : vector<16xi1>
      tpu.vector_store_idx %arg4[%get3A_71], %convert_element_type3A_132 masked %and3A {add = true} : memref<106496xf32, #tpu.memory_space<vmem>>[vector<16xi32>], vector<16xf32>, vector<16xi1>
      %scan3A_133 = arith.constant 1 : i32
      %scan3A_134 = arith.addi %scan3A_33, %scan3A_133 : i32
      %get3A_135 = arith.index_cast %scan3A_134 : i32 to index
      %get3A_136 = arith.constant 0 : index
      %get3A_137 = tpu.vector_load %arg5[%get3A_135, %get3A_136] {strides = array<i32>} : memref<64x200xi32, #tpu.memory_space<vmem>>, vector<16xi32>,
      %get3A_138 = arith.index_cast %scan3A_134 : i32 to index
      %get3A_139 = arith.constant 16 : index
      %get3A_140 = tpu.vector_load %arg5[%get3A_138, %get3A_139] {strides = array<i32>} : memref<64x200xi32, #tpu.memory_space<vmem>>, vector<16xi32>,
      %get3A_141 = arith.index_cast %scan3A_134 : i32 to index
      %get3A_142 = arith.constant 32 : index
      %get3A_143 = tpu.vector_load %arg5[%get3A_141, %get3A_142] {strides = array<i32>} : memref<64x200xi32, #tpu.memory_space<vmem>>, vector<16xi32>,
      %get3A_144 = arith.index_cast %scan3A_134 : i32 to index
      %get3A_145 = arith.constant 48 : index
      %get3A_146 = tpu.vector_load %arg5[%get3A_144, %get3A_145] {strides = array<i32>} : memref<64x200xi32, #tpu.memory_space<vmem>>, vector<16xi32>,
      %get3A_147 = arith.index_cast %scan3A_134 : i32 to index
      %get3A_148 = arith.constant 64 : index
      %get3A_149 = tpu.vector_load %arg5[%get3A_147, %get3A_148] {strides = array<i32>} : memref<64x200xi32, #tpu.memory_space<vmem>>, vector<16xi32>,
      %get3A_150 = arith.index_cast %scan3A_134 : i32 to index
      %get3A_151 = arith.constant 80 : index
      %get3A_152 = tpu.vector_load %arg5[%get3A_150, %get3A_151] {strides = array<i32>} : memref<64x200xi32, #tpu.memory_space<vmem>>, vector<16xi32>,
      %get3A_153 = arith.index_cast %scan3A_134 : i32 to index
      %get3A_154 = arith.constant 96 : index
      %get3A_155 = tpu.vector_load %arg5[%get3A_153, %get3A_154] {strides = array<i32>} : memref<64x200xi32, #tpu.memory_space<vmem>>, vector<16xi32>,
      %get3A_156 = arith.index_cast %scan3A_134 : i32 to index
      %get3A_157 = arith.constant 112 : index
      %get3A_158 = tpu.vector_load %arg5[%get3A_156, %get3A_157] {strides = array<i32>} : memref<64x200xi32, #tpu.memory_space<vmem>>, vector<16xi32>,
      %get3A_159 = arith.index_cast %scan3A_134 : i32 to index
      %get3A_160 = arith.constant 128 : index
      %get3A_161 = tpu.vector_load %arg5[%get3A_159, %get3A_160] {strides = array<i32>} : memref<64x200xi32, #tpu.memory_space<vmem>>, vector<16xi32>,
      %get3A_162 = arith.index_cast %scan3A_134 : i32 to index
      %get3A_163 = arith.constant 144 : index
      %get3A_164 = tpu.vector_load %arg5[%get3A_162, %get3A_163] {strides = array<i32>} : memref<64x200xi32, #tpu.memory_space<vmem>>, vector<16xi32>,
      %get3A_165 = arith.index_cast %scan3A_134 : i32 to index
      %get3A_166 = arith.constant 160 : index
      %get3A_167 = tpu.vector_load %arg5[%get3A_165, %get3A_166] {strides = array<i32>} : memref<64x200xi32, #tpu.memory_space<vmem>>, vector<16xi32>,
      %get3A_168 = arith.index_cast %scan3A_134 : i32 to index
      %get3A_169 = arith.constant 176 : index
      %get3A_170 = tpu.vector_load %arg5[%get3A_168, %get3A_169] {strides = array<i32>} : memref<64x200xi32, #tpu.memory_space<vmem>>, vector<16xi32>,
      %get3A_171 = arith.index_cast %scan3A_134 : i32 to index
      %get3A_172 = arith.constant 184 : index
      %get3A_173 = tpu.vector_load %arg5[%get3A_171, %get3A_172] {strides = array<i32>} : memref<64x200xi32, #tpu.memory_space<vmem>>, vector<16xi32>,
      %broadcast_in_dim3A_174 = arith.constant true
      %broadcast_in_dim3A_175 = vector.broadcast %broadcast_in_dim3A_174 : i1 to vector<16xi1>
      %unique3A_176, %unique3A_177 = tpu.scan_count mask(%broadcast_in_dim3A_175 : vector<16xi1>) value(%get3A_137 : vector<16xi32>) : vector<16xi1>, vector<16xi32>
      %broadcast_in_dim3A_178 = arith.constant true
      %broadcast_in_dim3A_179 = vector.broadcast %broadcast_in_dim3A_178 : i1 to vector<16xi1>
      %unique3A_180, %unique3A_181 = tpu.scan_count mask(%broadcast_in_dim3A_179 : vector<16xi1>) value(%get3A_140 : vector<16xi32>) : vector<16xi1>, vector<16xi32>
      %broadcast_in_dim3A_182 = arith.constant true
      %broadcast_in_dim3A_183 = vector.broadcast %broadcast_in_dim3A_182 : i1 to vector<16xi1>
      %unique3A_184, %unique3A_185 = tpu.scan_count mask(%broadcast_in_dim3A_183 : vector<16xi1>) value(%get3A_143 : vector<16xi32>) : vector<16xi1>, vector<16xi32>
      %convert_element_type3A_186 = arith.sitofp %unique3A_177 : vector<16xi32> to vector<16xf32>
      tpu.vector_store_idx %arg4[%get3A_137], %convert_element_type3A_186 masked %unique3A_176 {add = true} : memref<106496xf32, #tpu.memory_space<vmem>>[vector<16xi32>], vector<16xf32>, vector<16xi1>
      %convert_element_type3A_187 = arith.sitofp %unique3A_181 : vector<16xi32> to vector<16xf32>
      tpu.vector_store_idx %arg4[%get3A_140], %convert_element_type3A_187 masked %unique3A_180 {add = true} : memref<106496xf32, #tpu.memory_space<vmem>>[vector<16xi32>], vector<16xf32>, vector<16xi1>
      %convert_element_type3A_188 = arith.sitofp %unique3A_185 : vector<16xi32> to vector<16xf32>
      tpu.vector_store_idx %arg4[%get3A_143], %convert_element_type3A_188 masked %unique3A_184 {add = true} : memref<106496xf32, #tpu.memory_space<vmem>>[vector<16xi32>], vector<16xf32>, vector<16xi1>
      %broadcast_in_dim3A_189 = arith.constant true
      %broadcast_in_dim3A_190 = vector.broadcast %broadcast_in_dim3A_189 : i1 to vector<16xi1>
      %unique3A_191, %unique3A_192 = tpu.scan_count mask(%broadcast_in_dim3A_190 : vector<16xi1>) value(%get3A_146 : vector<16xi32>) : vector<16xi1>, vector<16xi32>
      %broadcast_in_dim3A_193 = arith.constant true
      %broadcast_in_dim3A_194 = vector.broadcast %broadcast_in_dim3A_193 : i1 to vector<16xi1>
      %unique3A_195, %unique3A_196 = tpu.scan_count mask(%broadcast_in_dim3A_194 : vector<16xi1>) value(%get3A_149 : vector<16xi32>) : vector<16xi1>, vector<16xi32>
      %broadcast_in_dim3A_197 = arith.constant true
      %broadcast_in_dim3A_198 = vector.broadcast %broadcast_in_dim3A_197 : i1 to vector<16xi1>
      %unique3A_199, %unique3A_200 = tpu.scan_count mask(%broadcast_in_dim3A_198 : vector<16xi1>) value(%get3A_152 : vector<16xi32>) : vector<16xi1>, vector<16xi32>
      %convert_element_type3A_201 = arith.sitofp %unique3A_192 : vector<16xi32> to vector<16xf32>
      tpu.vector_store_idx %arg4[%get3A_146], %convert_element_type3A_201 masked %unique3A_191 {add = true} : memref<106496xf32, #tpu.memory_space<vmem>>[vector<16xi32>], vector<16xf32>, vector<16xi1>
      %convert_element_type3A_202 = arith.sitofp %unique3A_196 : vector<16xi32> to vector<16xf32>
      tpu.vector_store_idx %arg4[%get3A_149], %convert_element_type3A_202 masked %unique3A_195 {add = true} : memref<106496xf32, #tpu.memory_space<vmem>>[vector<16xi32>], vector<16xf32>, vector<16xi1>
      %convert_element_type3A_203 = arith.sitofp %unique3A_200 : vector<16xi32> to vector<16xf32>
      tpu.vector_store_idx %arg4[%get3A_152], %convert_element_type3A_203 masked %unique3A_199 {add = true} : memref<106496xf32, #tpu.memory_space<vmem>>[vector<16xi32>], vector<16xf32>, vector<16xi1>
      %broadcast_in_dim3A_204 = arith.constant true
      %broadcast_in_dim3A_205 = vector.broadcast %broadcast_in_dim3A_204 : i1 to vector<16xi1>
      %unique3A_206, %unique3A_207 = tpu.scan_count mask(%broadcast_in_dim3A_205 : vector<16xi1>) value(%get3A_155 : vector<16xi32>) : vector<16xi1>, vector<16xi32>
      %broadcast_in_dim3A_208 = arith.constant true
      %broadcast_in_dim3A_209 = vector.broadcast %broadcast_in_dim3A_208 : i1 to vector<16xi1>
      %unique3A_210, %unique3A_211 = tpu.scan_count mask(%broadcast_in_dim3A_209 : vector<16xi1>) value(%get3A_158 : vector<16xi32>) : vector<16xi1>, vector<16xi32>
      %broadcast_in_dim3A_212 = arith.constant true
      %broadcast_in_dim3A_213 = vector.broadcast %broadcast_in_dim3A_212 : i1 to vector<16xi1>
      %unique3A_214, %unique3A_215 = tpu.scan_count mask(%broadcast_in_dim3A_213 : vector<16xi1>) value(%get3A_161 : vector<16xi32>) : vector<16xi1>, vector<16xi32>
      %convert_element_type3A_216 = arith.sitofp %unique3A_207 : vector<16xi32> to vector<16xf32>
      tpu.vector_store_idx %arg4[%get3A_155], %convert_element_type3A_216 masked %unique3A_206 {add = true} : memref<106496xf32, #tpu.memory_space<vmem>>[vector<16xi32>], vector<16xf32>, vector<16xi1>
      %convert_element_type3A_217 = arith.sitofp %unique3A_211 : vector<16xi32> to vector<16xf32>
      tpu.vector_store_idx %arg4[%get3A_158], %convert_element_type3A_217 masked %unique3A_210 {add = true} : memref<106496xf32, #tpu.memory_space<vmem>>[vector<16xi32>], vector<16xf32>, vector<16xi1>
      %convert_element_type3A_218 = arith.sitofp %unique3A_215 : vector<16xi32> to vector<16xf32>
      tpu.vector_store_idx %arg4[%get3A_161], %convert_element_type3A_218 masked %unique3A_214 {add = true} : memref<106496xf32, #tpu.memory_space<vmem>>[vector<16xi32>], vector<16xf32>, vector<16xi1>
      %broadcast_in_dim3A_219 = arith.constant true
      %broadcast_in_dim3A_220 = vector.broadcast %broadcast_in_dim3A_219 : i1 to vector<16xi1>
      %unique3A_221, %unique3A_222 = tpu.scan_count mask(%broadcast_in_dim3A_220 : vector<16xi1>) value(%get3A_164 : vector<16xi32>) : vector<16xi1>, vector<16xi32>
      %broadcast_in_dim3A_223 = arith.constant true
      %broadcast_in_dim3A_224 = vector.broadcast %broadcast_in_dim3A_223 : i1 to vector<16xi1>
      %unique3A_225, %unique3A_226 = tpu.scan_count mask(%broadcast_in_dim3A_224 : vector<16xi1>) value(%get3A_167 : vector<16xi32>) : vector<16xi1>, vector<16xi32>
      %broadcast_in_dim3A_227 = arith.constant true
      %broadcast_in_dim3A_228 = vector.broadcast %broadcast_in_dim3A_227 : i1 to vector<16xi1>
      %unique3A_229, %unique3A_230 = tpu.scan_count mask(%broadcast_in_dim3A_228 : vector<16xi1>) value(%get3A_170 : vector<16xi32>) : vector<16xi1>, vector<16xi32>
      %convert_element_type3A_231 = arith.sitofp %unique3A_222 : vector<16xi32> to vector<16xf32>
      tpu.vector_store_idx %arg4[%get3A_164], %convert_element_type3A_231 masked %unique3A_221 {add = true} : memref<106496xf32, #tpu.memory_space<vmem>>[vector<16xi32>], vector<16xf32>, vector<16xi1>
      %convert_element_type3A_232 = arith.sitofp %unique3A_226 : vector<16xi32> to vector<16xf32>
      tpu.vector_store_idx %arg4[%get3A_167], %convert_element_type3A_232 masked %unique3A_225 {add = true} : memref<106496xf32, #tpu.memory_space<vmem>>[vector<16xi32>], vector<16xf32>, vector<16xi1>
      %convert_element_type3A_233 = arith.sitofp %unique3A_230 : vector<16xi32> to vector<16xf32>
      tpu.vector_store_idx %arg4[%get3A_170], %convert_element_type3A_233 masked %unique3A_229 {add = true} : memref<106496xf32, #tpu.memory_space<vmem>>[vector<16xi32>], vector<16xf32>, vector<16xi1>
      %unique3A_234, %unique3A_235 = tpu.scan_count mask(%ge3A_3 : vector<16xi1>) value(%get3A_173 : vector<16xi32>) : vector<16xi1>, vector<16xi32>
      %convert_element_type3A_236 = arith.sitofp %unique3A_235 : vector<16xi32> to vector<16xf32>
      %and3A_237 = arith.andi %unique3A_234, %ge3A_3 : vector<16xi1>
      tpu.vector_store_idx %arg4[%get3A_173], %convert_element_type3A_236 masked %and3A_237 {add = true} : memref<106496xf32, #tpu.memory_space<vmem>>[vector<16xi32>], vector<16xf32>, vector<16xi1>
    }
    %scan3A_32 = arith.constant 64 : i32
    "tpu.region"() ({
      %run_scoped3A = tpu.sem_alloc : memref<!tpu.dma_semaphore, #tpu.memory_space<semaphore_mem>>
      %dma_start3A_33 = arith.constant 0 : i32
      %dma_start3A_34 = tpu.memref_slice %arg3[%add3A, %dma_start3A_33] : memref<32x106496xf32, #tpu.memory_space<hbm>> -> memref<1x106496xf32, #tpu.memory_space<hbm>>
      %dma_start3A_35 = tpu.memref_squeeze %dma_start3A_34 : memref<1x106496xf32, #tpu.memory_space<hbm>> -> memref<106496xf32, #tpu.memory_space<hbm>>
      %dma_start3A_36 = arith.constant 0 : i32
      %dma_start3A_37 = tpu.memref_slice %arg3[%add3A, %dma_start3A_36] : memref<32x106496xf32, #tpu.memory_space<hbm>> -> memref<1x106496xf32, #tpu.memory_space<hbm>>
      %dma_start3A_38 = tpu.memref_squeeze %dma_start3A_37 : memref<1x106496xf32, #tpu.memory_space<hbm>> -> memref<106496xf32, #tpu.memory_space<hbm>>
      tpu.enqueue_dma source(%arg4 : memref<106496xf32, #tpu.memory_space<vmem>>) target(%dma_start3A_38 : memref<106496xf32, #tpu.memory_space<hbm>>) target_semaphore(%run_scoped3A : memref<!tpu.dma_semaphore, #tpu.memory_space<semaphore_mem>>)
      %dma_wait3A_39 = arith.constant 0 : i32
      %dma_wait3A_40 = tpu.memref_slice %arg3[%add3A, %dma_wait3A_39] : memref<32x106496xf32, #tpu.memory_space<hbm>> -> memref<1x106496xf32, #tpu.memory_space<hbm>>
      %dma_wait3A_41 = tpu.memref_squeeze %dma_wait3A_40 : memref<1x106496xf32, #tpu.memory_space<hbm>> -> memref<106496xf32, #tpu.memory_space<hbm>>
      %dma_wait3A_42 = arith.constant 0 : i32
      %dma_wait3A_43 = tpu.memref_slice %arg3[%add3A, %dma_wait3A_42] : memref<32x106496xf32, #tpu.memory_space<hbm>> -> memref<1x106496xf32, #tpu.memory_space<hbm>>
      %dma_wait3A_44 = tpu.memref_squeeze %dma_wait3A_43 : memref<1x106496xf32, #tpu.memory_space<hbm>> -> memref<106496xf32, #tpu.memory_space<hbm>>
      tpu.wait_dma2 semaphore(%run_scoped3A : memref<!tpu.dma_semaphore, #tpu.memory_space<semaphore_mem>>) src(%arg4 : memref<106496xf32, #tpu.memory_space<vmem>>) dst(%dma_wait3A_44 : memref<106496xf32, #tpu.memory_space<hbm>>)
      tpu.yield
    }) : () -> ()
    return
  }
}

#map = affine_map<(d0, d1) -> (0)>
#map1 = affine_map<(d0, d1) -> (0, 0)>
module attributes {stable_mosaic.version = 14 : i64} {
  func.func @new_body(%arg0: i32, %arg1: i32, %arg2: memref<4096xi32, #tpu.memory_space<hbm>>, %arg3: memref<128xf32, #tpu.memory_space<hbm>>, %arg4: memref<100001x128xf32, #tpu.memory_space<hbm>>, %arg5: memref<100001x128xf32, #tpu.memory_space<hbm>>, %arg6: memref<128xi32, #tpu.memory_space<vmem>>, %arg7: memref<128xf32, #tpu.memory_space<vmem>>, %arg8: memref<128x128xf32, #tpu.memory_space<vmem>>, %arg9: memref<!tpu.dma_semaphore, #tpu.memory_space<semaphore_mem>>) attributes {dimension_semantics = [#tpu.dimension_semantics<core_parallel>, #tpu.dimension_semantics<subcore_parallel>], iteration_bounds = array<i64: 2, 16>, scalar_prefetch = 0 : i64, scratch_operands = 4 : i64, tpu.core_type = #tpu.core_type<sc_vector_subcore>, window_params = [{transform_indices = #map}, {transform_indices = #map}, {transform_indices = #map1}, {transform_indices = #map1}]} {
    %mul3A = arith.constant 2 : i32
    %mul3A_0 = arith.muli %arg1, %mul3A : i32
    %add3A = arith.addi %mul3A_0, %arg0 : i32
    %mul3A_1 = arith.constant 128 : i32
    %mul3A_2 = arith.muli %add3A, %mul3A_1 : i32
    %dma_start3A = tpu.memref_slice %arg2[%mul3A_2] : memref<4096xi32, #tpu.memory_space<hbm>> -> memref<128xi32, #tpu.memory_space<hbm>>
    %dma_start3A_3 = tpu.memref_slice %arg2[%mul3A_2] : memref<4096xi32, #tpu.memory_space<hbm>> -> memref<128xi32, #tpu.memory_space<hbm>>
    tpu.enqueue_dma source(%dma_start3A_3 : memref<128xi32, #tpu.memory_space<hbm>>) target(%arg6 : memref<128xi32, #tpu.memory_space<vmem>>) target_semaphore(%arg9 : memref<!tpu.dma_semaphore, #tpu.memory_space<semaphore_mem>>)
    "tpu.region"() ({
      %run_scoped3A = tpu.sem_alloc : memref<!tpu.dma_semaphore, #tpu.memory_space<semaphore_mem>>
      tpu.enqueue_dma source(%arg3 : memref<128xf32, #tpu.memory_space<hbm>>) target(%arg7 : memref<128xf32, #tpu.memory_space<vmem>>) target_semaphore(%run_scoped3A : memref<!tpu.dma_semaphore, #tpu.memory_space<semaphore_mem>>)
      tpu.wait_dma2 semaphore(%run_scoped3A : memref<!tpu.dma_semaphore, #tpu.memory_space<semaphore_mem>>) src(%arg3 : memref<128xf32, #tpu.memory_space<hbm>>) dst(%arg7 : memref<128xf32, #tpu.memory_space<vmem>>)
      tpu.yield
    }) : () -> ()
    %scan3A = arith.constant 0 : i32
    %scan3A_4 = arith.constant 0 : i32
    %scan3A_5 = arith.constant 128 : i32
    %scan3A_6 = arith.addi %scan3A_4, %scan3A_5 : i32
    %scan3A_7 = arith.constant 2 : i32
    scf.for %scan3A_16 = %scan3A_4 to %scan3A_6 step %scan3A_7  : i32 {
      %get3A = arith.constant 0 : index
      %get3A_17 = tpu.vector_load %arg7[%get3A] {strides = array<i32>} : memref<128xf32, #tpu.memory_space<vmem>>, vector<16xf32>,
      %swap3A = arith.index_cast %scan3A_16 : i32 to index
      %swap3A_18 = arith.constant 0 : index
      %swap3A_19 = tpu.vector_load %arg8[%swap3A, %swap3A_18] {strides = array<i32>} : memref<128x128xf32, #tpu.memory_space<vmem>>, vector<16xf32>,
      tpu.vector_store %arg8[%swap3A, %swap3A_18], %get3A_17 {strides = array<i32>} : memref<128x128xf32, #tpu.memory_space<vmem>>, vector<16xf32>,
      %get3A_20 = arith.constant 16 : index
      %get3A_21 = tpu.vector_load %arg7[%get3A_20] {strides = array<i32>} : memref<128xf32, #tpu.memory_space<vmem>>, vector<16xf32>,
      %swap3A_22 = arith.index_cast %scan3A_16 : i32 to index
      %swap3A_23 = arith.constant 16 : index
      %swap3A_24 = tpu.vector_load %arg8[%swap3A_22, %swap3A_23] {strides = array<i32>} : memref<128x128xf32, #tpu.memory_space<vmem>>, vector<16xf32>,
      tpu.vector_store %arg8[%swap3A_22, %swap3A_23], %get3A_21 {strides = array<i32>} : memref<128x128xf32, #tpu.memory_space<vmem>>, vector<16xf32>,
      %get3A_25 = arith.constant 32 : index
      %get3A_26 = tpu.vector_load %arg7[%get3A_25] {strides = array<i32>} : memref<128xf32, #tpu.memory_space<vmem>>, vector<16xf32>,
      %swap3A_27 = arith.index_cast %scan3A_16 : i32 to index
      %swap3A_28 = arith.constant 32 : index
      %swap3A_29 = tpu.vector_load %arg8[%swap3A_27, %swap3A_28] {strides = array<i32>} : memref<128x128xf32, #tpu.memory_space<vmem>>, vector<16xf32>,
      tpu.vector_store %arg8[%swap3A_27, %swap3A_28], %get3A_26 {strides = array<i32>} : memref<128x128xf32, #tpu.memory_space<vmem>>, vector<16xf32>,
      %get3A_30 = arith.constant 48 : index
      %get3A_31 = tpu.vector_load %arg7[%get3A_30] {strides = array<i32>} : memref<128xf32, #tpu.memory_space<vmem>>, vector<16xf32>,
      %swap3A_32 = arith.index_cast %scan3A_16 : i32 to index
      %swap3A_33 = arith.constant 48 : index
      %swap3A_34 = tpu.vector_load %arg8[%swap3A_32, %swap3A_33] {strides = array<i32>} : memref<128x128xf32, #tpu.memory_space<vmem>>, vector<16xf32>,
      tpu.vector_store %arg8[%swap3A_32, %swap3A_33], %get3A_31 {strides = array<i32>} : memref<128x128xf32, #tpu.memory_space<vmem>>, vector<16xf32>,
      %get3A_35 = arith.constant 64 : index
      %get3A_36 = tpu.vector_load %arg7[%get3A_35] {strides = array<i32>} : memref<128xf32, #tpu.memory_space<vmem>>, vector<16xf32>,
      %swap3A_37 = arith.index_cast %scan3A_16 : i32 to index
      %swap3A_38 = arith.constant 64 : index
      %swap3A_39 = tpu.vector_load %arg8[%swap3A_37, %swap3A_38] {strides = array<i32>} : memref<128x128xf32, #tpu.memory_space<vmem>>, vector<16xf32>,
      tpu.vector_store %arg8[%swap3A_37, %swap3A_38], %get3A_36 {strides = array<i32>} : memref<128x128xf32, #tpu.memory_space<vmem>>, vector<16xf32>,
      %get3A_40 = arith.constant 80 : index
      %get3A_41 = tpu.vector_load %arg7[%get3A_40] {strides = array<i32>} : memref<128xf32, #tpu.memory_space<vmem>>, vector<16xf32>,
      %swap3A_42 = arith.index_cast %scan3A_16 : i32 to index
      %swap3A_43 = arith.constant 80 : index
      %swap3A_44 = tpu.vector_load %arg8[%swap3A_42, %swap3A_43] {strides = array<i32>} : memref<128x128xf32, #tpu.memory_space<vmem>>, vector<16xf32>,
      tpu.vector_store %arg8[%swap3A_42, %swap3A_43], %get3A_41 {strides = array<i32>} : memref<128x128xf32, #tpu.memory_space<vmem>>, vector<16xf32>,
      %get3A_45 = arith.constant 96 : index
      %get3A_46 = tpu.vector_load %arg7[%get3A_45] {strides = array<i32>} : memref<128xf32, #tpu.memory_space<vmem>>, vector<16xf32>,
      %swap3A_47 = arith.index_cast %scan3A_16 : i32 to index
      %swap3A_48 = arith.constant 96 : index
      %swap3A_49 = tpu.vector_load %arg8[%swap3A_47, %swap3A_48] {strides = array<i32>} : memref<128x128xf32, #tpu.memory_space<vmem>>, vector<16xf32>,
      tpu.vector_store %arg8[%swap3A_47, %swap3A_48], %get3A_46 {strides = array<i32>} : memref<128x128xf32, #tpu.memory_space<vmem>>, vector<16xf32>,
      %get3A_50 = arith.constant 112 : index
      %get3A_51 = tpu.vector_load %arg7[%get3A_50] {strides = array<i32>} : memref<128xf32, #tpu.memory_space<vmem>>, vector<16xf32>,
      %swap3A_52 = arith.index_cast %scan3A_16 : i32 to index
      %swap3A_53 = arith.constant 112 : index
      %swap3A_54 = tpu.vector_load %arg8[%swap3A_52, %swap3A_53] {strides = array<i32>} : memref<128x128xf32, #tpu.memory_space<vmem>>, vector<16xf32>,
      tpu.vector_store %arg8[%swap3A_52, %swap3A_53], %get3A_51 {strides = array<i32>} : memref<128x128xf32, #tpu.memory_space<vmem>>, vector<16xf32>,
      %scan3A_55 = arith.constant 1 : i32
      %scan3A_56 = arith.addi %scan3A_16, %scan3A_55 : i32
      %get3A_57 = arith.constant 0 : index
      %get3A_58 = tpu.vector_load %arg7[%get3A_57] {strides = array<i32>} : memref<128xf32, #tpu.memory_space<vmem>>, vector<16xf32>,
      %swap3A_59 = arith.index_cast %scan3A_56 : i32 to index
      %swap3A_60 = arith.constant 0 : index
      %swap3A_61 = tpu.vector_load %arg8[%swap3A_59, %swap3A_60] {strides = array<i32>} : memref<128x128xf32, #tpu.memory_space<vmem>>, vector<16xf32>,
      tpu.vector_store %arg8[%swap3A_59, %swap3A_60], %get3A_58 {strides = array<i32>} : memref<128x128xf32, #tpu.memory_space<vmem>>, vector<16xf32>,
      %get3A_62 = arith.constant 16 : index
      %get3A_63 = tpu.vector_load %arg7[%get3A_62] {strides = array<i32>} : memref<128xf32, #tpu.memory_space<vmem>>, vector<16xf32>,
      %swap3A_64 = arith.index_cast %scan3A_56 : i32 to index
      %swap3A_65 = arith.constant 16 : index
      %swap3A_66 = tpu.vector_load %arg8[%swap3A_64, %swap3A_65] {strides = array<i32>} : memref<128x128xf32, #tpu.memory_space<vmem>>, vector<16xf32>,
      tpu.vector_store %arg8[%swap3A_64, %swap3A_65], %get3A_63 {strides = array<i32>} : memref<128x128xf32, #tpu.memory_space<vmem>>, vector<16xf32>,
      %get3A_67 = arith.constant 32 : index
      %get3A_68 = tpu.vector_load %arg7[%get3A_67] {strides = array<i32>} : memref<128xf32, #tpu.memory_space<vmem>>, vector<16xf32>,
      %swap3A_69 = arith.index_cast %scan3A_56 : i32 to index
      %swap3A_70 = arith.constant 32 : index
      %swap3A_71 = tpu.vector_load %arg8[%swap3A_69, %swap3A_70] {strides = array<i32>} : memref<128x128xf32, #tpu.memory_space<vmem>>, vector<16xf32>,
      tpu.vector_store %arg8[%swap3A_69, %swap3A_70], %get3A_68 {strides = array<i32>} : memref<128x128xf32, #tpu.memory_space<vmem>>, vector<16xf32>,
      %get3A_72 = arith.constant 48 : index
      %get3A_73 = tpu.vector_load %arg7[%get3A_72] {strides = array<i32>} : memref<128xf32, #tpu.memory_space<vmem>>, vector<16xf32>,
      %swap3A_74 = arith.index_cast %scan3A_56 : i32 to index
      %swap3A_75 = arith.constant 48 : index
      %swap3A_76 = tpu.vector_load %arg8[%swap3A_74, %swap3A_75] {strides = array<i32>} : memref<128x128xf32, #tpu.memory_space<vmem>>, vector<16xf32>,
      tpu.vector_store %arg8[%swap3A_74, %swap3A_75], %get3A_73 {strides = array<i32>} : memref<128x128xf32, #tpu.memory_space<vmem>>, vector<16xf32>,
      %get3A_77 = arith.constant 64 : index
      %get3A_78 = tpu.vector_load %arg7[%get3A_77] {strides = array<i32>} : memref<128xf32, #tpu.memory_space<vmem>>, vector<16xf32>,
      %swap3A_79 = arith.index_cast %scan3A_56 : i32 to index
      %swap3A_80 = arith.constant 64 : index
      %swap3A_81 = tpu.vector_load %arg8[%swap3A_79, %swap3A_80] {strides = array<i32>} : memref<128x128xf32, #tpu.memory_space<vmem>>, vector<16xf32>,
      tpu.vector_store %arg8[%swap3A_79, %swap3A_80], %get3A_78 {strides = array<i32>} : memref<128x128xf32, #tpu.memory_space<vmem>>, vector<16xf32>,
      %get3A_82 = arith.constant 80 : index
      %get3A_83 = tpu.vector_load %arg7[%get3A_82] {strides = array<i32>} : memref<128xf32, #tpu.memory_space<vmem>>, vector<16xf32>,
      %swap3A_84 = arith.index_cast %scan3A_56 : i32 to index
      %swap3A_85 = arith.constant 80 : index
      %swap3A_86 = tpu.vector_load %arg8[%swap3A_84, %swap3A_85] {strides = array<i32>} : memref<128x128xf32, #tpu.memory_space<vmem>>, vector<16xf32>,
      tpu.vector_store %arg8[%swap3A_84, %swap3A_85], %get3A_83 {strides = array<i32>} : memref<128x128xf32, #tpu.memory_space<vmem>>, vector<16xf32>,
      %get3A_87 = arith.constant 96 : index
      %get3A_88 = tpu.vector_load %arg7[%get3A_87] {strides = array<i32>} : memref<128xf32, #tpu.memory_space<vmem>>, vector<16xf32>,
      %swap3A_89 = arith.index_cast %scan3A_56 : i32 to index
      %swap3A_90 = arith.constant 96 : index
      %swap3A_91 = tpu.vector_load %arg8[%swap3A_89, %swap3A_90] {strides = array<i32>} : memref<128x128xf32, #tpu.memory_space<vmem>>, vector<16xf32>,
      tpu.vector_store %arg8[%swap3A_89, %swap3A_90], %get3A_88 {strides = array<i32>} : memref<128x128xf32, #tpu.memory_space<vmem>>, vector<16xf32>,
      %get3A_92 = arith.constant 112 : index
      %get3A_93 = tpu.vector_load %arg7[%get3A_92] {strides = array<i32>} : memref<128xf32, #tpu.memory_space<vmem>>, vector<16xf32>,
      %swap3A_94 = arith.index_cast %scan3A_56 : i32 to index
      %swap3A_95 = arith.constant 112 : index
      %swap3A_96 = tpu.vector_load %arg8[%swap3A_94, %swap3A_95] {strides = array<i32>} : memref<128x128xf32, #tpu.memory_space<vmem>>, vector<16xf32>,
      tpu.vector_store %arg8[%swap3A_94, %swap3A_95], %get3A_93 {strides = array<i32>} : memref<128x128xf32, #tpu.memory_space<vmem>>, vector<16xf32>,
    }
    %scan3A_8 = arith.constant 128 : i32
    %dma_wait3A = tpu.memref_slice %arg2[%mul3A_2] : memref<4096xi32, #tpu.memory_space<hbm>> -> memref<128xi32, #tpu.memory_space<hbm>>
    %dma_wait3A_9 = tpu.memref_slice %arg2[%mul3A_2] : memref<4096xi32, #tpu.memory_space<hbm>> -> memref<128xi32, #tpu.memory_space<hbm>>
    tpu.wait_dma2 semaphore(%arg9 : memref<!tpu.dma_semaphore, #tpu.memory_space<semaphore_mem>>) src(%dma_wait3A_9 : memref<128xi32, #tpu.memory_space<hbm>>) dst(%arg6 : memref<128xi32, #tpu.memory_space<vmem>>)
    %dma_start3A_10 = arith.constant 0 : i32
    %dma_start3A_11 = arith.constant 0 : i32
    %dma_start3A_12 = tpu.memref_slice %arg4[%dma_start3A_10, %dma_start3A_11] : memref<100001x128xf32, #tpu.memory_space<hbm>> -> memref<100001x128xf32, #tpu.memory_space<hbm>>
    tpu.enqueue_indirect_dma source(%arg8 : memref<128x128xf32, #tpu.memory_space<vmem>>) target(%dma_start3A_12 : memref<100001x128xf32, #tpu.memory_space<hbm>>) offsets(%arg6 : memref<128xi32, #tpu.memory_space<vmem>>) semaphore(%arg9 : memref<!tpu.dma_semaphore, #tpu.memory_space<semaphore_mem>>)
    %dma_wait3A_13 = arith.constant 0 : i32
    %dma_wait3A_14 = arith.constant 0 : i32
    %dma_wait3A_15 = tpu.memref_slice %arg4[%dma_wait3A_13, %dma_wait3A_14] : memref<100001x128xf32, #tpu.memory_space<hbm>> -> memref<100001x128xf32, #tpu.memory_space<hbm>>
    tpu.wait_indirect_dma semaphore(%arg9 : memref<!tpu.dma_semaphore, #tpu.memory_space<semaphore_mem>>) src(%arg8 : memref<128x128xf32, #tpu.memory_space<vmem>>) dst(%dma_wait3A_15 : memref<100001x128xf32, #tpu.memory_space<hbm>>)
    return
  }
}

module attributes {stable_mosaic.version = 14 : i64} {
  func.func @_copy_body(%arg0: i32, %arg1: memref<8192x128xf32, #tpu.memory_space<vmem>>, %arg2: memref<8192x128xf32, #tpu.memory_space<vmem>>) attributes {dimension_semantics = [#tpu.dimension_semantics<parallel>], iteration_bounds = array<i64: 13>, scalar_prefetch = 0 : i64, scratch_operands = 0 : i64, tpu.core_type = #tpu.core_type<tc>, window_params = [{transform_indices = @transform_0, window_bounds = array<i64: 8192, 128>}, {transform_indices = @transform_1, window_bounds = array<i64: 8192, 128>}]} {
    %get3A = arith.constant 0 : index
    %get3A_0 = arith.constant 0 : index
    %get3A_1 = vector.load %arg1[%get3A, %get3A_0] : memref<8192x128xf32, #tpu.memory_space<vmem>>, vector<8192x128xf32>
    %swap3A = arith.constant 0 : index
    %swap3A_2 = arith.constant 0 : index
    %swap3A_3 = vector.load %arg2[%swap3A, %swap3A_2] : memref<8192x128xf32, #tpu.memory_space<vmem>>, vector<8192x128xf32>
    tpu.vector_store %arg2[%swap3A, %swap3A_2], %get3A_1 {strides = array<i32>} : memref<8192x128xf32, #tpu.memory_space<vmem>>, vector<8192x128xf32>,
    return
  }
  func.func @transform_0(%arg0: i32) -> (i32, i32) {
    %c0_i32 = arith.constant 0 : i32
    %c0_i32_0 = arith.constant 0 : i32
    return %arg0, %c0_i32 : i32, i32
  }
  func.func @transform_1(%arg0: i32) -> (i32, i32) {
    %c0_i32 = arith.constant 0 : i32
    %c0_i32_0 = arith.constant 0 : i32
    return %arg0, %c0_i32 : i32, i32
  }
}

module attributes {stable_mosaic.version = 14 : i64} {
  func.func @_sweep_body(%arg0: i32, %arg1: memref<32x8192xf32, #tpu.memory_space<vmem>>, %arg2: memref<8192x128xf32, #tpu.memory_space<vmem>>, %arg3: memref<128x64xf32, #tpu.memory_space<vmem>>, %arg4: memref<1x64xf32, #tpu.memory_space<vmem>>, %arg5: memref<64x32xf32, #tpu.memory_space<vmem>>, %arg6: memref<1x32xf32, #tpu.memory_space<vmem>>, %arg7: memref<32x1xf32, #tpu.memory_space<vmem>>, %arg8: memref<1x1xf32, #tpu.memory_space<vmem>>, %arg9: memref<1x1xf32, #tpu.memory_space<vmem>>, %arg10: memref<1x128xf32, #tpu.memory_space<vmem>>, %arg11: memref<1x128xf32, #tpu.memory_space<vmem>>) attributes {dimension_semantics = [#tpu.dimension_semantics<arbitrary>], iteration_bounds = array<i64: 13>, scalar_prefetch = 0 : i64, scratch_operands = 1 : i64, tpu.core_type = #tpu.core_type<tc>, window_params = [{transform_indices = @transform_0, window_bounds = array<i64: 32, 8192>}, {transform_indices = @transform_1, window_bounds = array<i64: 8192, 128>}, {pipeline_mode = #tpu.pipeline_mode<synchronous>, transform_indices = @transform_2, window_bounds = array<i64: 128, 64>}, {pipeline_mode = #tpu.pipeline_mode<synchronous>, transform_indices = @transform_3, window_bounds = array<i64: 1, 64>}, {pipeline_mode = #tpu.pipeline_mode<synchronous>, transform_indices = @transform_4, window_bounds = array<i64: 64, 32>}, {pipeline_mode = #tpu.pipeline_mode<synchronous>, transform_indices = @transform_5, window_bounds = array<i64: 1, 32>}, {pipeline_mode = #tpu.pipeline_mode<synchronous>, transform_indices = @transform_6, window_bounds = array<i64: 32, 1>}, {pipeline_mode = #tpu.pipeline_mode<synchronous>, transform_indices = @transform_7, window_bounds = array<i64: 1, 1>}, {pipeline_mode = #tpu.pipeline_mode<synchronous>, transform_indices = @transform_8, window_bounds = array<i64: 1, 1>}, {pipeline_mode = #tpu.pipeline_mode<synchronous>, transform_indices = @transform_9, window_bounds = array<i64: 1, 128>}]} {
    %eq3A = arith.constant 0 : i32
    %eq3A_0 = arith.cmpi eq, %arg0, %eq3A : i32
    %convert_element_type3A = arith.extui %eq3A_0 : i1 to i32
    %cond3A = arith.constant 0 : i32
    %cond3A_1 = arith.cmpi ne, %convert_element_type3A, %cond3A : i32
    scf.if %cond3A_1 {
      %broadcast_in_dim3A_25 = arith.constant 0.000000e+00 : f32
      %broadcast_in_dim3A_26 = vector.broadcast %broadcast_in_dim3A_25 : f32 to vector<1x128xf32>
      %swap3A_27 = arith.constant 0 : index
      %swap3A_28 = arith.constant 0 : index
      %swap3A_29 = vector.load %arg11[%swap3A_27, %swap3A_28] : memref<1x128xf32, #tpu.memory_space<vmem>>, vector<1x128xf32>
      tpu.vector_store %arg11[%swap3A_27, %swap3A_28], %broadcast_in_dim3A_26 {strides = array<i32>} : memref<1x128xf32, #tpu.memory_space<vmem>>, vector<1x128xf32>,
    } else {
    }
    %get3A = arith.constant 0 : index
    %get3A_2 = arith.constant 0 : index
    %get3A_3 = vector.load %arg1[%get3A, %get3A_2] : memref<32x8192xf32, #tpu.memory_space<vmem>>, vector<32x8192xf32>
    %reduce_sum3A = arith.constant dense<0.000000e+00> : vector<8192xf32>
    %reduce_sum3A_4 = vector.multi_reduction <add>, %get3A_3, %reduce_sum3A [0] : vector<32x8192xf32> to vector<8192xf32>
    %broadcast_in_dim3A = vector.shape_cast %reduce_sum3A_4 : vector<8192xf32> to vector<1x8192xf32>
    %mul3A = arith.constant 8192 : i32
    %mul3A_5 = arith.muli %arg0, %mul3A : i32
    %iota3A = tpu.iota {dimensions = array<i32: 0>} : vector<8192x128xi32>
    %add3A = vector.broadcast %mul3A_5 : i32 to vector<8192x128xi32>
    %add3A_6 = arith.addi %add3A, %iota3A : vector<8192x128xi32>
    %lt3A = arith.constant 100001 : i32
    %lt3A_7 = vector.broadcast %lt3A : i32 to vector<8192x128xi32>
    %lt3A_8 = arith.cmpi slt, %add3A_6, %lt3A_7 : vector<8192x128xi32>
    %get3A_9 = arith.constant 0 : index
    %get3A_10 = arith.constant 0 : index
    %get3A_11 = vector.load %arg2[%get3A_9, %get3A_10] : memref<8192x128xf32, #tpu.memory_space<vmem>>, vector<8192x128xf32>
    %jit3A = arith.constant 0.000000e+00 : f32
    %broadcast_in_dim3A_12 = vector.broadcast %jit3A : f32 to vector<8192x128xf32>
    %select_n3A = arith.select %lt3A_8, %get3A_11, %broadcast_in_dim3A_12 : vector<8192x128xi1>, vector<8192x128xf32>
    %get3A_13 = arith.constant 0 : index
    %get3A_14 = arith.constant 0 : index
    %get3A_15 = vector.load %arg11[%get3A_13, %get3A_14] : memref<1x128xf32, #tpu.memory_space<vmem>>, vector<1x128xf32>
    %dot_general3A = arith.constant dense<0.000000e+00> : vector<1x128xf32>
    %dot_general3A_16 = tpu.matmul %broadcast_in_dim3A, %select_n3A, %dot_general3A {dimension_numbers = #tpu.dot_dimension_numbers<[1], [0], [0], [1], [0, 0, 1, 1], [], []>, transpose_lhs_hint = false} : vector<1x8192xf32>, vector<8192x128xf32>, vector<1x128xf32> -> vector<1x128xf32>
    %add3A_17 = arith.addf %get3A_15, %dot_general3A_16 : vector<1x128xf32>
    %swap3A = arith.constant 0 : index
    %swap3A_18 = arith.constant 0 : index
    %swap3A_19 = vector.load %arg11[%swap3A, %swap3A_18] : memref<1x128xf32, #tpu.memory_space<vmem>>, vector<1x128xf32>
    tpu.vector_store %arg11[%swap3A, %swap3A_18], %add3A_17 {strides = array<i32>} : memref<1x128xf32, #tpu.memory_space<vmem>>, vector<1x128xf32>,
    %eq3A_20 = arith.constant 12 : i32
    %eq3A_21 = arith.cmpi eq, %arg0, %eq3A_20 : i32
    %convert_element_type3A_22 = arith.extui %eq3A_21 : i1 to i32
    %cond3A_23 = arith.constant 0 : i32
    %cond3A_24 = arith.cmpi ne, %convert_element_type3A_22, %cond3A_23 : i32
    scf.if %cond3A_24 {
      %get3A_25 = arith.constant 0 : index
      %get3A_26 = arith.constant 0 : index
      %get3A_27 = vector.load %arg11[%get3A_25, %get3A_26] : memref<1x128xf32, #tpu.memory_space<vmem>>, vector<1x128xf32>
      %swap3A_28 = arith.constant 0 : index
      %swap3A_29 = arith.constant 0 : index
      %swap3A_30 = vector.load %arg10[%swap3A_28, %swap3A_29] : memref<1x128xf32, #tpu.memory_space<vmem>>, vector<1x128xf32>
      tpu.vector_store %arg10[%swap3A_28, %swap3A_29], %get3A_27 {strides = array<i32>} : memref<1x128xf32, #tpu.memory_space<vmem>>, vector<1x128xf32>,
      %get3A_31 = arith.constant 0 : index
      %get3A_32 = arith.constant 0 : index
      %get3A_33 = vector.load %arg3[%get3A_31, %get3A_32] : memref<128x64xf32, #tpu.memory_space<vmem>>, vector<128x64xf32>
      %dot_general3A_34 = arith.constant dense<0.000000e+00> : vector<1x64xf32>
      %dot_general3A_35 = tpu.matmul %get3A_27, %get3A_33, %dot_general3A_34 {dimension_numbers = #tpu.dot_dimension_numbers<[1], [0], [0], [1], [0, 0, 1, 1], [], []>, transpose_lhs_hint = false} : vector<1x128xf32>, vector<128x64xf32>, vector<1x64xf32> -> vector<1x64xf32>
      %get3A_36 = arith.constant 0 : index
      %get3A_37 = arith.constant 0 : index
      %get3A_38 = vector.load %arg4[%get3A_36, %get3A_37] : memref<1x64xf32, #tpu.memory_space<vmem>>, vector<1x64xf32>
      %add3A_39 = arith.addf %dot_general3A_35, %get3A_38 : vector<1x64xf32>
      %max3A = arith.constant 0.000000e+00 : f32
      %max3A_40 = vector.broadcast %max3A : f32 to vector<1x64xf32>
      %max3A_41 = arith.maximumf %add3A_39, %max3A_40 : vector<1x64xf32>
      %get3A_42 = arith.constant 0 : index
      %get3A_43 = arith.constant 0 : index
      %get3A_44 = vector.load %arg5[%get3A_42, %get3A_43] : memref<64x32xf32, #tpu.memory_space<vmem>>, vector<64x32xf32>
      %dot_general3A_45 = arith.constant dense<0.000000e+00> : vector<1x32xf32>
      %dot_general3A_46 = tpu.matmul %max3A_41, %get3A_44, %dot_general3A_45 {dimension_numbers = #tpu.dot_dimension_numbers<[1], [0], [0], [1], [0, 0, 1, 1], [], []>, transpose_lhs_hint = false} : vector<1x64xf32>, vector<64x32xf32>, vector<1x32xf32> -> vector<1x32xf32>
      %get3A_47 = arith.constant 0 : index
      %get3A_48 = arith.constant 0 : index
      %get3A_49 = vector.load %arg6[%get3A_47, %get3A_48] : memref<1x32xf32, #tpu.memory_space<vmem>>, vector<1x32xf32>
      %add3A_50 = arith.addf %dot_general3A_46, %get3A_49 : vector<1x32xf32>
      %max3A_51 = arith.constant 0.000000e+00 : f32
      %max3A_52 = vector.broadcast %max3A_51 : f32 to vector<1x32xf32>
      %max3A_53 = arith.maximumf %add3A_50, %max3A_52 : vector<1x32xf32>
      %get3A_54 = arith.constant 0 : index
      %get3A_55 = arith.constant 0 : index
      %get3A_56 = vector.load %arg7[%get3A_54, %get3A_55] : memref<32x1xf32, #tpu.memory_space<vmem>>, vector<32x1xf32>
      %dot_general3A_57 = arith.constant dense<0.000000e+00> : vector<1x1xf32>
      %dot_general3A_58 = tpu.matmul %max3A_53, %get3A_56, %dot_general3A_57 {dimension_numbers = #tpu.dot_dimension_numbers<[1], [0], [0], [1], [0, 0, 1, 1], [], []>, transpose_lhs_hint = false} : vector<1x32xf32>, vector<32x1xf32>, vector<1x1xf32> -> vector<1x1xf32>
      %get3A_59 = arith.constant 0 : index
      %get3A_60 = arith.constant 0 : index
      %get3A_61 = vector.load %arg8[%get3A_59, %get3A_60] : memref<1x1xf32, #tpu.memory_space<vmem>>, vector<1x1xf32>
      %add3A_62 = arith.addf %dot_general3A_58, %get3A_61 : vector<1x1xf32>
      %neg3A = arith.constant 0.000000e+00 : f32
      %neg3A_63 = vector.broadcast %neg3A : f32 to vector<1x1xf32>
      %neg3A_64 = arith.subf %neg3A_63, %add3A_62 : vector<1x1xf32>
      %exp3A = math.exp %neg3A_64 : vector<1x1xf32>
      %add3A_65 = arith.constant 1.000000e+00 : f32
      %add3A_66 = vector.broadcast %add3A_65 : f32 to vector<1x1xf32>
      %add3A_67 = arith.addf %add3A_66, %exp3A : vector<1x1xf32>
      %div3A = arith.constant 1.000000e+00 : f32
      %div3A_68 = vector.broadcast %div3A : f32 to vector<1x1xf32>
      %div3A_69 = arith.divf %div3A_68, %add3A_67 : vector<1x1xf32>
      %swap3A_70 = arith.constant 0 : index
      %swap3A_71 = arith.constant 0 : index
      %swap3A_72 = vector.load %arg9[%swap3A_70, %swap3A_71] : memref<1x1xf32, #tpu.memory_space<vmem>>, vector<1x1xf32>
      tpu.vector_store %arg9[%swap3A_70, %swap3A_71], %div3A_69 {strides = array<i32>} : memref<1x1xf32, #tpu.memory_space<vmem>>, vector<1x1xf32>,
    } else {
    }
    return
  }
  func.func @transform_0(%arg0: i32) -> (i32, i32) {
    %c0_i32 = arith.constant 0 : i32
    %c0_i32_0 = arith.constant 0 : i32
    return %c0_i32, %arg0 : i32, i32
  }
  func.func @transform_1(%arg0: i32) -> (i32, i32) {
    %c0_i32 = arith.constant 0 : i32
    %c0_i32_0 = arith.constant 0 : i32
    return %arg0, %c0_i32 : i32, i32
  }
  func.func @transform_2(%arg0: i32) -> (i32, i32) {
    %c0_i32 = arith.constant 0 : i32
    %c0_i32_0 = arith.constant 0 : i32
    %c0_i32_1 = arith.constant 0 : i32
    return %c0_i32, %c0_i32_0 : i32, i32
  }
  func.func @transform_3(%arg0: i32) -> (i32, i32) {
    %c0_i32 = arith.constant 0 : i32
    %c0_i32_0 = arith.constant 0 : i32
    %c0_i32_1 = arith.constant 0 : i32
    return %c0_i32, %c0_i32_0 : i32, i32
  }
  func.func @transform_4(%arg0: i32) -> (i32, i32) {
    %c0_i32 = arith.constant 0 : i32
    %c0_i32_0 = arith.constant 0 : i32
    %c0_i32_1 = arith.constant 0 : i32
    return %c0_i32, %c0_i32_0 : i32, i32
  }
  func.func @transform_5(%arg0: i32) -> (i32, i32) {
    %c0_i32 = arith.constant 0 : i32
    %c0_i32_0 = arith.constant 0 : i32
    %c0_i32_1 = arith.constant 0 : i32
    return %c0_i32, %c0_i32_0 : i32, i32
  }
  func.func @transform_6(%arg0: i32) -> (i32, i32) {
    %c0_i32 = arith.constant 0 : i32
    %c0_i32_0 = arith.constant 0 : i32
    %c0_i32_1 = arith.constant 0 : i32
    return %c0_i32, %c0_i32_0 : i32, i32
  }
  func.func @transform_7(%arg0: i32) -> (i32, i32) {
    %c0_i32 = arith.constant 0 : i32
    %c0_i32_0 = arith.constant 0 : i32
    %c0_i32_1 = arith.constant 0 : i32
    return %c0_i32, %c0_i32_0 : i32, i32
  }
  func.func @transform_8(%arg0: i32) -> (i32, i32) {
    %c0_i32 = arith.constant 0 : i32
    %c0_i32_0 = arith.constant 0 : i32
    %c0_i32_1 = arith.constant 0 : i32
    return %c0_i32, %c0_i32_0 : i32, i32
  }
  func.func @transform_9(%arg0: i32) -> (i32, i32) {
    %c0_i32 = arith.constant 0 : i32
    %c0_i32_0 = arith.constant 0 : i32
    %c0_i32_1 = arith.constant 0 : i32
    return %c0_i32, %c0_i32_0 : i32, i32
  }
}

</mosaic_0001>

<sc_bundles>
// kernel: kernel.6.cloned.1.call-start
scs
__scs_entry_jumppad:
0x0: {  	(pc) =	sbr.rel $0x88, $3  }
0x1: {  	(tag) =	ssettag $0x0;
	lr =	simm.s32 $0x1  }
0x2: {  	[smem:$0x3F97] =	sst lr;
	_ =	strace $0xD0000000  }
0x3: {  	_ = 	snop  }
0x4: {  	_ = 	snop  }
0x5: {  	_ = 	snop  }
0x6: {  	_ = 	snop  }
0x7: {  	_ = 	snop  }
__scs_overlays_trampoline_lowered:
0x8: {  	[smem:$0x3FA6] =	sst s0  }
0x9: {  	[smem:$0x3FA7] =	sst s1  }
0xa: {  	[smem:$0x3FA8] =	sst s2  }
0xb: {  	[smem:$0x3FA9] =	sst s3  }
0xc: {  	[smem:$0x3FAA] =	sst s4  }
0xd: {  	[smem:$0x3FAB] =	sst s5  }
0xe: {  	[smem:$0x3FAC] =	sst s6  }
0xf: {  	[smem:$0x3FAD] =	sst s7  }
0x10: {  	[smem:$0x3FAE] =	sst s8  }
0x11: {  	[smem:$0x3FAF] =	sst s9;
	s0 =	simm.s32 @!p0 $0x0  }
0x12: {  	s1 =	sld [smem:$0x3F95];
	s0 =	simm.s32 @p0 $0x1  }
0x13: {  	[smem:$0x3FB0] =	sst s0;
	s0 =	simm.s32 @!p1 $0x0  }
0x14: {  	s2 =	sld [smem:$0x3F94];
	s0 =	simm.s32 @p1 $0x1  }
0x15: {  	[smem:$0x3FB1] =	sst s0;
	s0 =	simm.s32 @!p2 $0x0  }
0x16: {  	s3 =	sld [smem:$0x3FDB];
	s0 =	simm.s32 @p2 $0x1  }
0x17: {  	s4 =	simm.s32 $0x1BF5;
	[smem:$0x3FB3] =	sst s0  }
0x18: {  	s0 =	sld [smem:$0x3F96];
	_ =	swait.ge [sflag:s4], $0x0  }
0x19: {  	s7 =	sld [smem:$0x3F97]  }
0x1a: {  	s8 =	sadd.s32 $0xFFFFE003, lr  }
0x1b: {  	s9 =	sadd.s32 $0xFFFFFEF7, lr;
	s5 =	simm.s32 $0xFFFFFFFF;
	p2 =	slt.u32 s8, $0xFFFFF086  }
0x1c: {  	p1 =	slt.u32 s9, $0xF7A;
	s5 =	simm.s32 @!p2 $0x0  }
0x1d: {  	s5 =	simm.s32 @p1 $0x1;
	p0 =	seq.s32 s7, s2  }
0x1e: {  	s7 =	smul.u32 @!p0 $0xF7A, s2;
	p2 =	seq.s32 @!p0 s5, $0x0  }
0x1f: {  	s9 =	smul.u32 $0xF7A, s1;
	s8 =	simm.s32 @!p0 $0x1BF5;
	p2 =	por !p2, p0  }
0x20: {  	[sflag:s8] =	ssyncset.s32 @!p0 $0xFFFFF086;
	s6 =	sadd.s32 @!p0 s3, s7;
	s7 =	simm.s32 @!p0 $0x108  }
0x21: {  	s3 =	sadd.s32 s3, s9;
	s6 =	sadd.s32 @!p0 $0x88, s6;
	s7 =	simm.s32 @p2 $0x1082  }
0x22: {  	[simem:s7], [sflag:s8] =	dma.local @!p0 [hbm:s6], $0xF7A  }
0x23: {  	s9 =	sor.u32 $0xD0000000, s2;
	s6 =	simm.s32 $0x108;
	_ =	swait.ge @!p0 [sflag:s8], $0x0  }
0x24: {  	s3 =	sadd.s32 $0x88, s3;
	s6 =	simm.s32 @!p1 $0x1082;
	[sflag:s4] =	ssyncset.s32 $0xFFFFF086  }
0x25: {  	[simem:s6], [sflag:s4] =	dma.local [hbm:s3], $0xF7A  }
0x26: {  	[smem:$0x3F97] =	sst s1;
	(tag) =	ssettag s2;
	_ =	strace s9  }
0x27: {  	s1 =	sld [smem:$0x3FA7]  }
0x28: {  	s2 =	sld [smem:$0x3FA8]  }
0x29: {  	s4 =	sld [smem:$0x3FAA]  }
0x2a: {  	p0 =	seq.s32 s5, $0x0;
	s5 =	sld [smem:$0x3FAB]  }
0x2b: {  	s6 =	sld [smem:$0x3FAC]  }
0x2c: {  	s7 =	sld [smem:$0x3FAD]  }
0x2d: {  	s3 =	simm.s32 $0x108;
	s8 =	sld [smem:$0x3FAE]  }
0x2e: {  	s3 =	simm.s32 @!p0 $0x1082;
	s9 =	sld [smem:$0x3FAF]  }
0x2f: {  	lr =	sadd.s32 s0, s3;
	s0 =	sld [smem:$0x3FA6]  }
0x30: {  	s3 =	sld [smem:$0x3FA9]  }
0x31: {  	[smem:$0x3FB2] =	sst s10  }
0x32: {  	s10 =	sld [smem:$0x3FB0];
	_ =	sdelay $0x3  }
0x33: {  	p0 =	seq.s32 s10, $0x1;
	s10 =	sld [smem:$0x3FB2];
	_ =	sdelay $0x3  }
0x34: {  	[smem:$0x3FB2] =	sst s10  }
0x35: {  	s10 =	sld [smem:$0x3FB1];
	_ =	sdelay $0x3  }
0x36: {  	p1 =	seq.s32 s10, $0x1;
	s10 =	sld [smem:$0x3FB2];
	_ =	sdelay $0x3  }
0x37: {  	[smem:$0x3FB2] =	sst s10  }
0x38: {  	s10 =	sld [smem:$0x3FB3]  }
0x39: {  	_ = 	snop;
	(pc) =	sbr.ind lr, $3  }
0x3a: {  	_ = 	snop  }
0x3b: {  	_ = 	snop  }
0x3c: {  	p2 =	seq.s32 s10, $0x1;
	s10 =	sld [smem:$0x3FB2]  }
0x3d: {  	_ =	shalt  }
0x3e: {  	_ =	shalt  }
0x3f: {  	_ =	shalt  }
0x40: {  	_ =	shalt  }
0x41: {  	_ =	shalt  }
0x42: {  	_ =	shalt  }
0x43: {  	_ =	shalt  }
0x44: {  	_ =	shalt  }
0x45: {  	_ =	shalt  }
0x46: {  	_ =	shalt  }
0x47: {  	_ =	shalt  }
0x48: {  	_ =	shalt  }
0x49: {  	_ =	shalt  }
0x4a: {  	_ =	shalt  }
0x4b: {  	_ =	shalt  }
0x4c: {  	_ =	shalt  }
0x4d: {  	_ =	shalt  }
0x4e: {  	_ =	shalt  }
0x4f: {  	_ =	shalt  }
0x50: {  	_ =	shalt  }
0x51: {  	_ =	shalt  }
0x52: {  	_ =	shalt  }
0x53: {  	_ =	shalt  }
0x54: {  	_ =	shalt  }
0x55: {  	_ =	shalt  }
0x56: {  	_ =	shalt  }
0x57: {  	_ =	shalt  }
0x58: {  	_ =	shalt  }
0x59: {  	_ =	shalt  }
0x5a: {  	_ =	shalt  }
0x5b: {  	_ =	shalt  }
0x5c: {  	_ =	shalt  }
0x5d: {  	_ =	shalt  }
0x5e: {  	_ =	shalt  }
0x5f: {  	_ =	shalt  }
0x60: {  	_ =	shalt  }
0x61: {  	_ =	shalt  }
0x62: {  	_ =	shalt  }
0x63: {  	_ =	shalt  }
0x64: {  	_ =	shalt  }
0x65: {  	_ =	shalt  }
0x66: {  	_ =	shalt  }
0x67: {  	_ =	shalt  }
0x68: {  	_ =	shalt  }
0x69: {  	_ =	shalt  }
0x6a: {  	_ =	shalt  }
0x6b: {  	_ =	shalt  }
0x6c: {  	_ =	shalt  }
0x6d: {  	_ =	shalt  }
0x6e: {  	_ =	shalt  }
0x6f: {  	_ =	shalt  }
0x70: {  	_ =	shalt  }
0x71: {  	_ =	shalt  }
0x72: {  	_ =	shalt  }
0x73: {  	_ =	shalt  }
0x74: {  	_ =	shalt  }
0x75: {  	_ =	shalt  }
0x76: {  	_ =	shalt  }
0x77: {  	_ =	shalt  }
0x78: {  	_ =	shalt  }
0x79: {  	_ =	shalt  }
0x7a: {  	_ =	shalt  }
0x7b: {  	_ =	shalt  }
0x7c: {  	_ =	shalt  }
0x7d: {  	_ =	shalt  }
0x7e: {  	_ =	shalt  }
0x7f: {  	_ =	shalt  }
0x80: {  	_ =	shalt  }
0x81: {  	_ =	shalt  }
0x82: {  	_ =	shalt  }
0x83: {  	_ =	shalt  }
0x84: {  	_ =	shalt  }
0x85: {  	_ =	shalt  }
0x86: {  	_ =	shalt  }
0x87: {  	_ =	shalt  }
.Lfunc_end0:
.L_simem_size_0:
called_computation_lowered:
.L_overlay_start_0:
0x88: {  	s2 =	sld [smem:$0x3FD9]  }
0x89: {  	s3 =	sld [smem:$0x3FFE];
	_ =	sdelay $0x1  }
0x8a: {  	s1 =	srdreg.scid  }
0x8b: {  	s0 =	sand.u32 $0x1, s1  }
0x8c: {  	s16 =	sshll.u32 s0, $0xA;
	s2 =	sadd.s32 s3, s2  }
0x8d: {  	s2 =	sadd.s32 s2, s16  }
0x8e: {  	[smem:$0x3FBE] =	sst s2  }
0x8f: {  	_ = 	snop  }
0x90: {  	(tm) =	ssettm $0x1  }
0x91: {  	s17 =	sld [smem:$0x3FFB];
	_ =	sdelay $0x3  }
0x92: {  	_ =	strace s17  }
0x93: {  	s2 =	sld [smem:$0x3FFC];
	_ =	sdelay $0x3  }
0x94: {  	_ =	strace s2  }
0x95: {  	s2 =	sld [smem:$0x3FFD];
	_ =	sdelay $0x3  }
0x96: {  	_ =	strace s2  }
0x97: {  	_ =	strace $0x8FFFFFFF  }
0x98: {  	s18 =	sld [smem:$0x3FDB];
	_ =	sdelay $0x1  }
0x99: {  	s19 =	simm.s32 $_scs_section_size  }
0x9a: {  	s4 =	simm.s32 $_size__tile_overlayer_lowered;
	s5 =	simm.s32 $_tile_overlayer_lowered  }
0x9b: {  	s22 =	simm.s32 $0x1BFF;
	s21 =	sshll.u32 s5, $0x1;
	s2 =	sadd.s32 s19, s18  }
0x9c: {  	s6 =	simm.s32 $0x0;
	s20 =	sshll.u32 s4, $0x1;
	s4 =	sadd.s32 s21, s2  }
0x9d: {  	[timem:s6], [sflag:s22] =	dma.local [hbm:s4], s20  }
0x9e: {  	_ =	swait.ge [sflag:s22], s20  }
0x9f: {  	s3 =	ssub.s32 $0x0, s20;
	[sflag:s22] =	ssyncset.done $0x0  }
0xa0: {  	[sflag:s22] =	ssyncadd.s32 s3;
	_ =	sdelay $0x1  }
0xa1: {  	s23 =	simm.s32 $0x1B8B  }
0xa2: {  	_ =	swait.ge [sflag:s23], $0x1  }
0xa3: {  	[sflag:s23] =	ssyncset.done $0x0  }
0xa4: {  	s25 =	simm.s32 $0x1B8E;
	s24 =	sld [smem:$0x3FFE];
	[sflag:s23] =	ssyncadd.s32 $0xFFFFFFFF  }
0xa5: {  	s26 =	simm.s32 $execute0_lowered;
	[smem:$0x3FD2] =	sst s25  }
0xa6: {  	s4 =	sshll.u32 s26, $0x1;
	_ =	strace $0x80000046;
	[dreg:$0x1] =	wrdreg $0xFFFFFFFF  }
0xa7: {  	s28 =	simm.s32 $_size_execute0_lowered;
	s2 =	sadd.s32 s2, s4;
	[dreg:$0x0] =	wrdreg $0x0  }
0xa8: {  	s4 =	sshll.u32 s28, $0x1;
	[dreg:$0x2] =	wrdreg s2  }
0xa9: {  	[dreg:$0x3] =	wrdreg s4  }
0xaa: {  	[dreg:$0x4] =	wrdreg $0xC0  }
0xab: {  	_ =	task [dreg:s6], $0x5FFFF  }
0xac: {  	[dreg:$0x1] =	wrdreg $0xFFFFFFFF  }
0xad: {  	[dreg:$0x0] =	wrdreg $0x60  }
0xae: {  	[dreg:$0x2] =	wrdreg s24  }
0xaf: {  	[dreg:$0x3] =	wrdreg $0x9  }
0xb0: {  	_ =	task.clear_ibuf [dreg:s6], $0x4FFFF;
	_ =	strace $0x90000046  }
0xb1: {  	s29 =	simm.s32 $0x9;
	_ =	strace $0x80000048  }
0xb2: {  	_ =	swait.ge [sflag:s29], $0x1  }
0xb3: {  	[sflag:s29] =	ssyncadd.s32 $0xFFFFFFFF  }
0xb4: {  	_ =	strace $0x90000048  }
0xb5: {  	_ =	sfence  }
0xb6: {  	s30 =	sld [smem:$0x0];
	_ =	sdelay $0x2  }
0xb7: {  	s31 =	sshll.u32 s1, $0xD;
	s1 =	sshrl.u32 s1, $0x2  }
0xb8: {  	s3 =	sand.u32 $0x4000, s31;
	s1 =	sadd.s32 s1, s30  }
0xb9: {  	s0 =	sor.u32 s3, s0;
	s1 =	sshll.u32 s1, $0x11  }
0xba: {  	s0 =	sor.u32 s1, s0  }
0xbb: {  	s0 =	sadd.s32 $0x8F2B, s0  }
0xbc: {  	[sflag:s0] =	ssyncadd.remote.s32 $0x1  }
0xbd: {  	_ =	sfence.sel $0xFFFF  }
0xbe: {  	[dreg:$0x0] =	wrdreg $0xFFFFFFFF;
	(pc) =	sbr.abs _section_cstart, $3  }
0xbf: {  	[dreg:$0x1] =	wrdreg $0xFFFFFFFF  }
0xc0: {  	_ =	task.clear_ibuf [dreg:s6], $0x2FFFF;
	_ =	strace $0x9FFFFFFF  }
0xc1: {  	(tm) =	ssettm $0x7FFFFFFF  }
tec
execute0_lowered:
.L_overlay_start_1:
0x0: {  	(tag) =	ssettag $0x1  }
0x1: {  	s3 =	rddreg [dreg:$0x0];
	s2 =	srdreg.scid  }
0x2: {  	s1 =	stileid.u32;
	s0 =	rddreg [dreg:$0x1];
	s8 =	simm.s32 $0x1  }
0x3: {  	s9 =	simm.s32 $0x2;
	s10 =	simm.s32 $0x80;
	s11 =	simm.s32 $0x400  }
0x4: {  	s12 =	simm.s32 $0x0;
	s4 =	sand.u32 $0x1, s2;
	s5 =	sshll.u32 s1, $0x1  }
0x5: {  	s2 =	simm.s32 $0x0;
	s6 =	sshrl.u32 s1, $0x2;
	s5 =	sor.u32 s4, s5  }
0x6: {  	[smem:$0x7FF] =	sst s2;
	s6 =	smul.u32 $0xD0000, s6;
	s7 =	sshll.u32 s5, $0x7  }
0x7: {  	s4 =	ssub.s32 $0x2, s4;
	_ =	strace $0x80000047;
	s7 =	sand.u32 $0x380, s7  }
0x8: {  	s5 =	sshll.u32 s5, $0xC;
	s31 =	sshrl.u32 s4, $0x1;
	s6 =	sor.u32 s6, s7  }
0x9: {  	s5 =	sadd.s32 s5, s3;
	s7 =	ssub.s32 s4, s31;
	s6 =	sshrl.u32 s6, $0x3  }
0xa: {  	s4 =	sadd.s32 $0x2000, s5;
	s6 =	sadd.s32 s6, s3;
	s3 =	sadd.s32 $0x1800, s5  }
0xb: {  	v0 =	vimm.f32 $0.0e+00;
	vm0 =	vcmask $0x3F20;
	s5 =	sadd.s32 $0x21800, s6;
	s6 =	smax.u32 s7, $0x1;
	s7 =	simm.s32 $0x1A000  }
.LBB2_1:
0xc: {  	[tilespmem:s7], [sflag:$0x1] =	stream.linear.gather [hbm4b:s3+s2], $0x4000, $0x38;
	[tilespmem:$0x1E000] =	vst v63  }
0xd: {  	s13 =	simm.s32 $0x40  }
0xe: {  	[tilespmem:s13+$0xFFFFFFC0] =	vst v0  }
0xf: {  	[tilespmem:s13+$0x30] =	vst v0  }
0x10: {  	[tilespmem:s13+$0x20] =	vst v0  }
0x11: {  	[tilespmem:s13+$0x10] =	vst v0  }
0x12: {  	[tilespmem:s13+$0x0] =	vst v0  }
0x13: {  	[tilespmem:s13+$0xFFFFFFF0] =	vst v0  }
0x14: {  	s14 =	simm.s32 $0x0;
	[tilespmem:s13+$0xFFFFFFE0] =	vst v0  }
.LBB2_2:
0x15: {  	s14 =	sadd.s32 $0x8, s14;
	[tilespmem:s13+$0xFFFFFFD0] =	vst v0;
	s13 =	sadd.s32 $0x80, s13  }
0x16: {  	[tilespmem:s13+$0xFFFFFFC0] =	vst v0;
	p0 =	slt.u32 s14, $0x19F8  }
0x17: {  	[tilespmem:s13+$0x30] =	vst v0  }
.Ltmp0:
0x18: {  	[tilespmem:s13+$0x20] =	vst v0;
	(pc) =	sbr.rel @p0 .LBB2_2-.Ltmp0, $4  }
0x19: {  	[tilespmem:s13+$0x10] =	vst v0  }
0x1a: {  	[tilespmem:s13+$0x0] =	vst v0  }
0x1b: {  	[tilespmem:s13+$0xFFFFFFF0] =	vst v0  }
0x1c: {  	[tilespmem:s13+$0xFFFFFFE0] =	vst v0  }
0x1d: {  	[tilespmem:s13+$0xFFFFFFD0] =	vst v0  }
0x1e: {  	_ =	swait.ge [sflag:s8], $0x4000  }
0x1f: {  	s13 =	simm.s32 $0xFFFFFFFE;
	[sflag:s8] =	ssyncset.done $0x0  }
0x20: {  	s14 =	simm.s32 $0x0;
	s15 =	simm.s32 $0x0;
	[sflag:s8] =	ssyncadd.s32 $0xFFFFC000  }
.LBB2_4:
0x21: {  	s16 =	sand.u32 $0x3800, s14;
	s17 =	sand.u32 $0x300, s15  }
0x22: {  	s17 =	sor.u32 s17, s16  }
0x23: {  	s16 =	sadd.s32 $0x1A000, s17;
	v1 =	vld [tilespmem:s17+$0x1A000]  }
0x24: {  	v2 =	vld [tilespmem:s16+$0x10]  }
0x25: {  	v3 =	vld [tilespmem:s16+$0x20]  }
0x26: {  	v4 =	vld [tilespmem:s16+$0x30]  }
0x27: {  	v5 =	vld [tilespmem:s16+$0x40]  }
0x28: {  	v6 =	vld [tilespmem:s16+$0x50];
	(xrf1) =	vunique.msk.u32 $0xffff, v1  }
0x29: {  	v7 =	vld [tilespmem:s16+$0x60];
	(xrf1) =	vunique.msk.u32 $0xffff, v2  }
0x2a: {  	v8 =	vld [tilespmem:s16+$0x70];
	(xrf1) =	vunique.msk.u32 $0xffff, v3  }
0x2b: {  	v9 =	vld [tilespmem:s16+$0x400];
	(xrf1) =	vunique.msk.u32 $0xffff, v4  }
0x2c: {  	v10 =	vld [tilespmem:s16+$0x410];
	(xrf1) =	vunique.msk.u32 $0xffff, v5  }
0x2d: {  	v11 =	vld [tilespmem:s16+$0x420];
	(xrf1) =	vunique.msk.u32 $0xffff, v6  }
0x2e: {  	v12 =	vld [tilespmem:s16+$0x430];
	(xrf1) =	vunique.msk.u32 $0xffff, v7  }
0x2f: {  	v13 =	vld [tilespmem:s16+$0x438];
	(xrf1) =	vunique.msk.u32 $0xffff, v8  }
0x30: {  	(xrf1) =	vunique.msk.u32 $0xffff, v9  }
0x31: {  	(xrf1) =	vunique.msk.u32 $0xffff, v10  }
0x32: {  	(xrf1) =	vunique.msk.u32 $0xffff, v11  }
0x33: {  	(xrf1) =	vunique.msk.u32 $0xffff, v12  }
0x34: {  	(xrf1) =	vunique.msk.u32 vm0, v13;
	_ =	sdelay $0x1  }
0x35: {  	_, v14, vm1 =	vpop (xrf1)  }
0x36: {  	_, v15, vm2 =	vpop (xrf1)  }
0x37: {  	v14 =	vcvt.s32.f32 v14;
	_, v16, vm3 =	vpop (xrf1)  }
0x38: {  	v15 =	vcvt.s32.f32 v15;
	_, v17, vm4 =	vpop (xrf1)  }
0x39: {  	_, v18, vm5 =	vpop (xrf1)  }
0x3a: {  	_, v19, vm6 =	vpop (xrf1)  }
0x3b: {  	_, v20, vm7 =	vpop (xrf1)  }
0x3c: {  	[tilespmem:v1+s2+$0x0] =	vst.idx.add.f32.msk vm1, v14;
	v1 =	vcvt.s32.f32 v16;
	_, v14, vm1 =	vpop (xrf1)  }
0x3d: {  	[tilespmem:v2+s2+$0x0] =	vst.idx.add.f32.msk vm2, v15;
	v2 =	vcvt.s32.f32 v17;
	_, v15, vm2 =	vpop (xrf1)  }
0x3e: {  	[tilespmem:v3+s2+$0x0] =	vst.idx.add.f32.msk vm3, v1;
	v1 =	vcvt.s32.f32 v18;
	_, v3, vm3 =	vpop (xrf1)  }
0x3f: {  	[tilespmem:v4+s2+$0x0] =	vst.idx.add.f32.msk vm4, v2;
	v2 =	vcvt.s32.f32 v19;
	_, v4, vm4 =	vpop (xrf1)  }
0x40: {  	[tilespmem:v5+s2+$0x0] =	vst.idx.add.f32.msk vm5, v1;
	v1 =	vcvt.s32.f32 v20;
	_, v5, vm5 =	vpop (xrf1)  }
0x41: {  	[tilespmem:v6+s2+$0x0] =	vst.idx.add.f32.msk vm6, v2;
	v2 =	vcvt.s32.f32 v14;
	_, v6, vm6 =	vpop (xrf1)  }
0x42: {  	[tilespmem:v7+s2+$0x0] =	vst.idx.add.f32.msk vm7, v1;
	v1 =	vcvt.s32.f32 v15;
	vm6 =	vmand vm6, vm0  }
0x43: {  	[tilespmem:v8+s2+$0x0] =	vst.idx.add.f32.msk vm1, v2;
	v2 =	vcvt.s32.f32 v3  }
0x44: {  	[tilespmem:v9+s2+$0x0] =	vst.idx.add.f32.msk vm2, v1;
	v1 =	vcvt.s32.f32 v4  }
0x45: {  	[tilespmem:v10+s2+$0x0] =	vst.idx.add.f32.msk vm3, v2;
	v2 =	vcvt.s32.f32 v5  }
0x46: {  	[tilespmem:v11+s2+$0x0] =	vst.idx.add.f32.msk vm4, v1;
	v1 =	vcvt.s32.f32 v6  }
0x47: {  	[tilespmem:v12+s2+$0x0] =	vst.idx.add.f32.msk vm5, v2  }
0x48: {  	[tilespmem:v13+s2+$0x0] =	vst.idx.add.f32.msk vm6, v1  }
0x49: {  	v1 =	vld [tilespmem:s16+$0x80]  }
0x4a: {  	v2 =	vld [tilespmem:s16+$0x90]  }
0x4b: {  	v3 =	vld [tilespmem:s16+$0xA0]  }
0x4c: {  	v49 =	vld [tilespmem:s16+$0xB0]  }
0x4d: {  	v50 =	vld [tilespmem:s16+$0xC0]  }
0x4e: {  	v51 =	vld [tilespmem:s16+$0xD0];
	(xrf1) =	vunique.msk.u32 $0xffff, v1  }
0x4f: {  	v7 =	vld [tilespmem:s16+$0xE0];
	(xrf1) =	vunique.msk.u32 $0xffff, v2  }
0x50: {  	v8 =	vld [tilespmem:s16+$0xF0];
	(xrf1) =	vunique.msk.u32 $0xffff, v3  }
0x51: {  	v9 =	vld [tilespmem:s16+$0x480];
	(xrf1) =	vunique.msk.u32 $0xffff, v49  }
0x52: {  	v10 =	vld [tilespmem:s16+$0x490];
	(xrf1) =	vunique.msk.u32 $0xffff, v50  }
0x53: {  	v11 =	vld [tilespmem:s16+$0x4A0];
	(xrf1) =	vunique.msk.u32 $0xffff, v51  }
0x54: {  	v12 =	vld [tilespmem:s16+$0x4B0];
	(xrf1) =	vunique.msk.u32 $0xffff, v7  }
0x55: {  	v13 =	vld [tilespmem:s16+$0x4B8];
	(xrf1) =	vunique.msk.u32 $0xffff, v8  }
0x56: {  	(xrf1) =	vunique.msk.u32 $0xffff, v9  }
0x57: {  	(xrf1) =	vunique.msk.u32 $0xffff, v10  }
0x58: {  	(xrf1) =	vunique.msk.u32 $0xffff, v11  }
0x59: {  	(xrf1) =	vunique.msk.u32 $0xffff, v12  }
0x5a: {  	(xrf1) =	vunique.msk.u32 vm0, v13;
	_ =	sdelay $0x1  }
0x5b: {  	_, v52, vm1 =	vpop (xrf1)  }
0x5c: {  	_, v53, vm2 =	vpop (xrf1)  }
0x5d: {  	_, v54, vm3 =	vpop (xrf1)  }
0x5e: {  	_, v55, vm12 =	vpop (xrf1)  }
0x5f: {  	_, v56, vm13 =	vpop (xrf1)  }
0x60: {  	v14 =	vcvt.s32.f32 v52;
	_, v57, vm14 =	vpop (xrf1)  }
0x61: {  	v15 =	vcvt.s32.f32 v53;
	_, v58, vm15 =	vpop (xrf1)  }
0x62: {  	v59 =	vcvt.s32.f32 v54;
	[tilespmem:v1+s2+$0x0] =	vst.idx.add.f32.msk vm1, v14;
	_, v1, vm1 =	vpop (xrf1)  }
0x63: {  	v60 =	vcvt.s32.f32 v55;
	[tilespmem:v2+s2+$0x0] =	vst.idx.add.f32.msk vm2, v15;
	_, v2, vm2 =	vpop (xrf1)  }
0x64: {  	v61 =	vcvt.s32.f32 v56;
	[tilespmem:v3+s2+$0x0] =	vst.idx.add.f32.msk vm3, v59;
	_, v3, vm3 =	vpop (xrf1)  }
0x65: {  	v62 =	vcvt.s32.f32 v57;
	[tilespmem:v49+s2+$0x0] =	vst.idx.add.f32.msk vm12, v60;
	_, v4, vm4 =	vpop (xrf1)  }
0x66: {  	v63 =	vcvt.s32.f32 v58;
	[tilespmem:v50+s2+$0x0] =	vst.idx.add.f32.msk vm13, v61;
	_, v5, vm5 =	vpop (xrf1)  }
0x67: {  	v1 =	vcvt.s32.f32 v1;
	[tilespmem:v51+s2+$0x0] =	vst.idx.add.f32.msk vm14, v62;
	_, v6, vm6 =	vpop (xrf1)  }
0x68: {  	s13 =	sadd.s32 $0x2, s13;
	v2 =	vcvt.s32.f32 v2;
	[tilespmem:v7+s2+$0x0] =	vst.idx.add.f32.msk vm15, v63;
	vm6 =	vmand vm6, vm0  }
0x69: {  	p0 =	slt.u32 s13, $0x3E;
	[tilespmem:v8+s2+$0x0] =	vst.idx.add.f32.msk vm1, v1;
	v1 =	vcvt.s32.f32 v3  }
.Ltmp1:
0x6a: {  	[tilespmem:v9+s2+$0x0] =	vst.idx.add.f32.msk vm2, v2;
	v2 =	vcvt.s32.f32 v4;
	(pc) =	sbr.rel @p0 .LBB2_4-.Ltmp1, $4  }
0x6b: {  	[tilespmem:v10+s2+$0x0] =	vst.idx.add.f32.msk vm3, v1;
	v1 =	vcvt.s32.f32 v5  }
0x6c: {  	[tilespmem:v11+s2+$0x0] =	vst.idx.add.f32.msk vm4, v2;
	v2 =	vcvt.s32.f32 v6  }
0x6d: {  	[tilespmem:v12+s2+$0x0] =	vst.idx.add.f32.msk vm5, v1  }
0x6e: {  	s15 =	sadd.s32 $0x100, s15;
	s14 =	sadd.s32 $0x200, s14;
	[tilespmem:v13+s2+$0x0] =	vst.idx.add.f32.msk vm6, v2  }
0x6f: {  	s13 =	simm.s32 $0x0  }
0x70: {  	[tilespmem:s7], [sflag:$0x2] =	stream.linear.gather [hbm4b:s4+s13], $0x4000, $0x38;
	[tilespmem:$0x1E000] =	vst v63  }
0x71: {  	_ =	swait.ge [sflag:s9], $0x4000  }
0x72: {  	[sflag:s9] =	ssyncset.done $0x0  }
0x73: {  	s14 =	simm.s32 $0xFFFFFFFE;
	s15 =	simm.s32 $0x0;
	[sflag:s9] =	ssyncadd.s32 $0xFFFFC000  }
.LBB2_6:
0x74: {  	s16 =	sand.u32 $0x3800, s13;
	s17 =	sand.u32 $0x300, s15  }
0x75: {  	s17 =	sor.u32 s17, s16  }
0x76: {  	s16 =	sadd.s32 $0x1A000, s17;
	v1 =	vld [tilespmem:s17+$0x1A000]  }
0x77: {  	v2 =	vld [tilespmem:s16+$0x10]  }
0x78: {  	v3 =	vld [tilespmem:s16+$0x20]  }
0x79: {  	v4 =	vld [tilespmem:s16+$0x30]  }
0x7a: {  	v5 =	vld [tilespmem:s16+$0x40]  }
0x7b: {  	v6 =	vld [tilespmem:s16+$0x50];
	(xrf1) =	vunique.msk.u32 $0xffff, v1  }
0x7c: {  	v7 =	vld [tilespmem:s16+$0x60];
	(xrf1) =	vunique.msk.u32 $0xffff, v2  }
0x7d: {  	v8 =	vld [tilespmem:s16+$0x70];
	(xrf1) =	vunique.msk.u32 $0xffff, v3  }
0x7e: {  	v9 =	vld [tilespmem:s16+$0x400];
	(xrf1) =	vunique.msk.u32 $0xffff, v4  }
0x7f: {  	v10 =	vld [tilespmem:s16+$0x410];
	(xrf1) =	vunique.msk.u32 $0xffff, v5  }
0x80: {  	v11 =	vld [tilespmem:s16+$0x420];
	(xrf1) =	vunique.msk.u32 $0xffff, v6  }
0x81: {  	v12 =	vld [tilespmem:s16+$0x430];
	(xrf1) =	vunique.msk.u32 $0xffff, v7  }
0x82: {  	v13 =	vld [tilespmem:s16+$0x438];
	(xrf1) =	vunique.msk.u32 $0xffff, v8  }
0x83: {  	(xrf1) =	vunique.msk.u32 $0xffff, v9  }
0x84: {  	(xrf1) =	vunique.msk.u32 $0xffff, v10  }
0x85: {  	(xrf1) =	vunique.msk.u32 $0xffff, v11  }
0x86: {  	(xrf1) =	vunique.msk.u32 $0xffff, v12  }
0x87: {  	(xrf1) =	vunique.msk.u32 vm0, v13;
	_ =	sdelay $0x1  }
0x88: {  	_, v14, vm1 =	vpop (xrf1)  }
0x89: {  	_, v15, vm2 =	vpop (xrf1)  }
0x8a: {  	v14 =	vcvt.s32.f32 v14;
	_, v16, vm3 =	vpop (xrf1)  }
0x8b: {  	v15 =	vcvt.s32.f32 v15;
	_, v17, vm4 =	vpop (xrf1)  }
0x8c: {  	_, v18, vm5 =	vpop (xrf1)  }
0x8d: {  	_, v19, vm6 =	vpop (xrf1)  }
0x8e: {  	_, v20, vm7 =	vpop (xrf1)  }
0x8f: {  	[tilespmem:v1+s2+$0x0] =	vst.idx.add.f32.msk vm1, v14;
	v1 =	vcvt.s32.f32 v16;
	_, v14, vm1 =	vpop (xrf1)  }
0x90: {  	[tilespmem:v2+s2+$0x0] =	vst.idx.add.f32.msk vm2, v15;
	v2 =	vcvt.s32.f32 v17;
	_, v15, vm2 =	vpop (xrf1)  }
0x91: {  	[tilespmem:v3+s2+$0x0] =	vst.idx.add.f32.msk vm3, v1;
	v1 =	vcvt.s32.f32 v18;
	_, v3, vm3 =	vpop (xrf1)  }
0x92: {  	[tilespmem:v4+s2+$0x0] =	vst.idx.add.f32.msk vm4, v2;
	v2 =	vcvt.s32.f32 v19;
	_, v4, vm4 =	vpop (xrf1)  }
0x93: {  	[tilespmem:v5+s2+$0x0] =	vst.idx.add.f32.msk vm5, v1;
	v1 =	vcvt.s32.f32 v20;
	_, v5, vm5 =	vpop (xrf1)  }
0x94: {  	[tilespmem:v6+s2+$0x0] =	vst.idx.add.f32.msk vm6, v2;
	v2 =	vcvt.s32.f32 v14;
	_, v6, vm6 =	vpop (xrf1)  }
0x95: {  	[tilespmem:v7+s2+$0x0] =	vst.idx.add.f32.msk vm7, v1;
	v1 =	vcvt.s32.f32 v15;
	vm6 =	vmand vm6, vm0  }
0x96: {  	[tilespmem:v8+s2+$0x0] =	vst.idx.add.f32.msk vm1, v2;
	v2 =	vcvt.s32.f32 v3  }
0x97: {  	[tilespmem:v9+s2+$0x0] =	vst.idx.add.f32.msk vm2, v1;
	v1 =	vcvt.s32.f32 v4  }
0x98: {  	[tilespmem:v10+s2+$0x0] =	vst.idx.add.f32.msk vm3, v2;
	v2 =	vcvt.s32.f32 v5  }
0x99: {  	[tilespmem:v11+s2+$0x0] =	vst.idx.add.f32.msk vm4, v1;
	v1 =	vcvt.s32.f32 v6  }
0x9a: {  	[tilespmem:v12+s2+$0x0] =	vst.idx.add.f32.msk vm5, v2  }
0x9b: {  	[tilespmem:v13+s2+$0x0] =	vst.idx.add.f32.msk vm6, v1  }
0x9c: {  	v1 =	vld [tilespmem:s16+$0x80]  }
0x9d: {  	v2 =	vld [tilespmem:s16+$0x90]  }
0x9e: {  	v3 =	vld [tilespmem:s16+$0xA0]  }
0x9f: {  	v49 =	vld [tilespmem:s16+$0xB0]  }
0xa0: {  	v50 =	vld [tilespmem:s16+$0xC0]  }
0xa1: {  	v51 =	vld [tilespmem:s16+$0xD0];
	(xrf1) =	vunique.msk.u32 $0xffff, v1  }
0xa2: {  	v7 =	vld [tilespmem:s16+$0xE0];
	(xrf1) =	vunique.msk.u32 $0xffff, v2  }
0xa3: {  	v8 =	vld [tilespmem:s16+$0xF0];
	(xrf1) =	vunique.msk.u32 $0xffff, v3  }
0xa4: {  	v9 =	vld [tilespmem:s16+$0x480];
	(xrf1) =	vunique.msk.u32 $0xffff, v49  }
0xa5: {  	v10 =	vld [tilespmem:s16+$0x490];
	(xrf1) =	vunique.msk.u32 $0xffff, v50  }
0xa6: {  	v11 =	vld [tilespmem:s16+$0x4A0];
	(xrf1) =	vunique.msk.u32 $0xffff, v51  }
0xa7: {  	v12 =	vld [tilespmem:s16+$0x4B0];
	(xrf1) =	vunique.msk.u32 $0xffff, v7  }
0xa8: {  	v13 =	vld [tilespmem:s16+$0x4B8];
	(xrf1) =	vunique.msk.u32 $0xffff, v8  }
0xa9: {  	(xrf1) =	vunique.msk.u32 $0xffff, v9  }
0xaa: {  	(xrf1) =	vunique.msk.u32 $0xffff, v10  }
0xab: {  	(xrf1) =	vunique.msk.u32 $0xffff, v11  }
0xac: {  	(xrf1) =	vunique.msk.u32 $0xffff, v12  }
0xad: {  	(xrf1) =	vunique.msk.u32 vm0, v13;
	_ =	sdelay $0x1  }
0xae: {  	_, v52, vm1 =	vpop (xrf1)  }
0xaf: {  	_, v53, vm2 =	vpop (xrf1)  }
0xb0: {  	_, v54, vm3 =	vpop (xrf1)  }
0xb1: {  	_, v55, vm12 =	vpop (xrf1)  }
0xb2: {  	_, v56, vm13 =	vpop (xrf1)  }
0xb3: {  	v14 =	vcvt.s32.f32 v52;
	_, v57, vm14 =	vpop (xrf1)  }
0xb4: {  	v15 =	vcvt.s32.f32 v53;
	_, v58, vm15 =	vpop (xrf1)  }
0xb5: {  	v59 =	vcvt.s32.f32 v54;
	[tilespmem:v1+s2+$0x0] =	vst.idx.add.f32.msk vm1, v14;
	_, v1, vm1 =	vpop (xrf1)  }
0xb6: {  	v60 =	vcvt.s32.f32 v55;
	[tilespmem:v2+s2+$0x0] =	vst.idx.add.f32.msk vm2, v15;
	_, v2, vm2 =	vpop (xrf1)  }
0xb7: {  	v61 =	vcvt.s32.f32 v56;
	[tilespmem:v3+s2+$0x0] =	vst.idx.add.f32.msk vm3, v59;
	_, v3, vm3 =	vpop (xrf1)  }
0xb8: {  	v62 =	vcvt.s32.f32 v57;
	[tilespmem:v49+s2+$0x0] =	vst.idx.add.f32.msk vm12, v60;
	_, v4, vm4 =	vpop (xrf1)  }
0xb9: {  	v63 =	vcvt.s32.f32 v58;
	[tilespmem:v50+s2+$0x0] =	vst.idx.add.f32.msk vm13, v61;
	_, v5, vm5 =	vpop (xrf1)  }
0xba: {  	v1 =	vcvt.s32.f32 v1;
	[tilespmem:v51+s2+$0x0] =	vst.idx.add.f32.msk vm14, v62;
	_, v6, vm6 =	vpop (xrf1)  }
0xbb: {  	s14 =	sadd.s32 $0x2, s14;
	v2 =	vcvt.s32.f32 v2;
	[tilespmem:v7+s2+$0x0] =	vst.idx.add.f32.msk vm15, v63;
	vm6 =	vmand vm6, vm0  }
0xbc: {  	p0 =	slt.u32 s14, $0x3E;
	[tilespmem:v8+s2+$0x0] =	vst.idx.add.f32.msk vm1, v1;
	v1 =	vcvt.s32.f32 v3  }
.Ltmp2:
0xbd: {  	[tilespmem:v9+s2+$0x0] =	vst.idx.add.f32.msk vm2, v2;
	v2 =	vcvt.s32.f32 v4;
	(pc) =	sbr.rel @p0 .LBB2_6-.Ltmp2, $4  }
0xbe: {  	[tilespmem:v10+s2+$0x0] =	vst.idx.add.f32.msk vm3, v1;
	v1 =	vcvt.s32.f32 v5  }
0xbf: {  	[tilespmem:v11+s2+$0x0] =	vst.idx.add.f32.msk vm4, v2;
	v2 =	vcvt.s32.f32 v6  }
0xc0: {  	[tilespmem:v12+s2+$0x0] =	vst.idx.add.f32.msk vm5, v1  }
0xc1: {  	s15 =	sadd.s32 $0x100, s15;
	s13 =	sadd.s32 $0x200, s13;
	[tilespmem:v13+s2+$0x0] =	vst.idx.add.f32.msk vm6, v2  }
0xc2: {  	s12 =	sadd.s32 $0x1, s12  }
0xc3: {  	p0 =	sne.s32 s12, s6  }
.Ltmp3:
0xc4: {  	_ = 	snop;
	(pc) =	sbr.rel @p0 .LBB2_1-.Ltmp3, $4  }
0xc5: {  	[hbm4b:s5+s10] =	stream.strided.scatter [tilespmem:s2], [sflag:$0x2], $0x1A000, s11, s10, $0x38;
	[tilespmem:$0x1E000] =	vst v63  }
0xc6: {  	_ =	swait.ge [sflag:s9], $0x1A000  }
0xc7: {  	[sflag:s9] =	ssyncset.done $0x0  }
0xc8: {  	[sflag:s9] =	ssyncadd.s32 $0xFFFE6000  }
0xc9: {  	_ =	sfence.sel $0x180000  }
0xca: {  	[bflag:$0x0] =	sbarrier.arrive $0xFFFF  }
0xcb: {  	p0 =	sne.s32 s1, $0x0;
	_ =	strace $0x90000047  }
0xcc: {  	s0 =	sadd.s32 @!p0 $0x100000, s0;
	[bflag:$0x2] =	sbarrier.arrive $0xFFFF  }
0xcd: {  	[sflag:s0] =	ssyncadd.tile.s32 @!p0 $0x1;
	_ =	shalt  }
.Lfunc_end2:
_tile_overlayer_lowered:
.L_overlay_start_2:
0xce: {  	(tag) =	ssettag $0x2  }
0xcf: {  	s0 =	rddreg [dreg:$0x0];
	s2 =	stileid.u32  }
0xd0: {  	s1 =	rddreg [dreg:$0x1];
	p0 =	sne.s32 s2, $0x0  }
0xd1: {  	s3 =	rddreg [dreg:$0x2];
	[bflag:$0x3] =	sbarrier.arrive $0xFFFF;
	s2 =	simm.s32 @!p0 $0x1C02  }
0xd2: {  	[timem:s3], [sflag:s2] =	dma.local @!p0 [hbm:s0], s1  }
0xd3: {  	s0 =	simm.s32 @!p0 $0x2  }
0xd4: {  	_ =	swait.ge @!p0 [sflag:s0], s1  }
0xd5: {  	s1 =	ssub.s32 @!p0 $0x0, s1;
	[sflag:s0] =	ssyncset.done @!p0 $0x0  }
0xd6: {  	[sflag:s0] =	ssyncadd.s32 @!p0 s1  }
0xd7: {  	[bflag:$0x3] =	sbarrier.arrive $0xFFFF  }
0xd8: {  	_ =	shalt  }

// kernel: kernel.9.cloned.1.call-start
scs
__scs_entry_jumppad:
0x0: {  	(pc) =	sbr.rel $0x88, $3  }
0x1: {  	(tag) =	ssettag $0x0;
	lr =	simm.s32 $0x1  }
0x2: {  	[smem:$0x3F97] =	sst lr;
	_ =	strace $0xD0000000  }
0x3: {  	_ = 	snop  }
0x4: {  	_ = 	snop  }
0x5: {  	_ = 	snop  }
0x6: {  	_ = 	snop  }
0x7: {  	_ = 	snop  }
__scs_overlays_trampoline_lowered:
0x8: {  	[smem:$0x3FA6] =	sst s0  }
0x9: {  	[smem:$0x3FA7] =	sst s1  }
0xa: {  	[smem:$0x3FA8] =	sst s2  }
0xb: {  	[smem:$0x3FA9] =	sst s3  }
0xc: {  	[smem:$0x3FAA] =	sst s4  }
0xd: {  	[smem:$0x3FAB] =	sst s5  }
0xe: {  	[smem:$0x3FAC] =	sst s6  }
0xf: {  	[smem:$0x3FAD] =	sst s7  }
0x10: {  	[smem:$0x3FAE] =	sst s8  }
0x11: {  	[smem:$0x3FAF] =	sst s9;
	s0 =	simm.s32 @!p0 $0x0  }
0x12: {  	s1 =	sld [smem:$0x3F95];
	s0 =	simm.s32 @p0 $0x1  }
0x13: {  	[smem:$0x3FB0] =	sst s0;
	s0 =	simm.s32 @!p1 $0x0  }
0x14: {  	s2 =	sld [smem:$0x3F94];
	s0 =	simm.s32 @p1 $0x1  }
0x15: {  	[smem:$0x3FB1] =	sst s0;
	s0 =	simm.s32 @!p2 $0x0  }
0x16: {  	s3 =	sld [smem:$0x3FDB];
	s0 =	simm.s32 @p2 $0x1  }
0x17: {  	s4 =	simm.s32 $0x1BF5;
	[smem:$0x3FB3] =	sst s0  }
0x18: {  	s0 =	sld [smem:$0x3F96];
	_ =	swait.ge [sflag:s4], $0x0  }
0x19: {  	s7 =	sld [smem:$0x3F97]  }
0x1a: {  	s8 =	sadd.s32 $0xFFFFE003, lr  }
0x1b: {  	s9 =	sadd.s32 $0xFFFFFEF7, lr;
	s5 =	simm.s32 $0xFFFFFFFF;
	p2 =	slt.u32 s8, $0xFFFFF086  }
0x1c: {  	p1 =	slt.u32 s9, $0xF7A;
	s5 =	simm.s32 @!p2 $0x0  }
0x1d: {  	s5 =	simm.s32 @p1 $0x1;
	p0 =	seq.s32 s7, s2  }
0x1e: {  	s7 =	smul.u32 @!p0 $0xF7A, s2;
	p2 =	seq.s32 @!p0 s5, $0x0  }
0x1f: {  	s9 =	smul.u32 $0xF7A, s1;
	s8 =	simm.s32 @!p0 $0x1BF5;
	p2 =	por !p2, p0  }
0x20: {  	[sflag:s8] =	ssyncset.s32 @!p0 $0xFFFFF086;
	s6 =	sadd.s32 @!p0 s3, s7;
	s7 =	simm.s32 @!p0 $0x108  }
0x21: {  	s3 =	sadd.s32 s3, s9;
	s6 =	sadd.s32 @!p0 $0x88, s6;
	s7 =	simm.s32 @p2 $0x1082  }
0x22: {  	[simem:s7], [sflag:s8] =	dma.local @!p0 [hbm:s6], $0xF7A  }
0x23: {  	s9 =	sor.u32 $0xD0000000, s2;
	s6 =	simm.s32 $0x108;
	_ =	swait.ge @!p0 [sflag:s8], $0x0  }
0x24: {  	s3 =	sadd.s32 $0x88, s3;
	s6 =	simm.s32 @!p1 $0x1082;
	[sflag:s4] =	ssyncset.s32 $0xFFFFF086  }
0x25: {  	[simem:s6], [sflag:s4] =	dma.local [hbm:s3], $0xF7A  }
0x26: {  	[smem:$0x3F97] =	sst s1;
	(tag) =	ssettag s2;
	_ =	strace s9  }
0x27: {  	s1 =	sld [smem:$0x3FA7]  }
0x28: {  	s2 =	sld [smem:$0x3FA8]  }
0x29: {  	s4 =	sld [smem:$0x3FAA]  }
0x2a: {  	p0 =	seq.s32 s5, $0x0;
	s5 =	sld [smem:$0x3FAB]  }
0x2b: {  	s6 =	sld [smem:$0x3FAC]  }
0x2c: {  	s7 =	sld [smem:$0x3FAD]  }
0x2d: {  	s3 =	simm.s32 $0x108;
	s8 =	sld [smem:$0x3FAE]  }
0x2e: {  	s3 =	simm.s32 @!p0 $0x1082;
	s9 =	sld [smem:$0x3FAF]  }
0x2f: {  	lr =	sadd.s32 s0, s3;
	s0 =	sld [smem:$0x3FA6]  }
0x30: {  	s3 =	sld [smem:$0x3FA9]  }
0x31: {  	[smem:$0x3FB2] =	sst s10  }
0x32: {  	s10 =	sld [smem:$0x3FB0];
	_ =	sdelay $0x3  }
0x33: {  	p0 =	seq.s32 s10, $0x1;
	s10 =	sld [smem:$0x3FB2];
	_ =	sdelay $0x3  }
0x34: {  	[smem:$0x3FB2] =	sst s10  }
0x35: {  	s10 =	sld [smem:$0x3FB1];
	_ =	sdelay $0x3  }
0x36: {  	p1 =	seq.s32 s10, $0x1;
	s10 =	sld [smem:$0x3FB2];
	_ =	sdelay $0x3  }
0x37: {  	[smem:$0x3FB2] =	sst s10  }
0x38: {  	s10 =	sld [smem:$0x3FB3]  }
0x39: {  	_ = 	snop;
	(pc) =	sbr.ind lr, $3  }
0x3a: {  	_ = 	snop  }
0x3b: {  	_ = 	snop  }
0x3c: {  	p2 =	seq.s32 s10, $0x1;
	s10 =	sld [smem:$0x3FB2]  }
0x3d: {  	_ =	shalt  }
0x3e: {  	_ =	shalt  }
0x3f: {  	_ =	shalt  }
0x40: {  	_ =	shalt  }
0x41: {  	_ =	shalt  }
0x42: {  	_ =	shalt  }
0x43: {  	_ =	shalt  }
0x44: {  	_ =	shalt  }
0x45: {  	_ =	shalt  }
0x46: {  	_ =	shalt  }
0x47: {  	_ =	shalt  }
0x48: {  	_ =	shalt  }
0x49: {  	_ =	shalt  }
0x4a: {  	_ =	shalt  }
0x4b: {  	_ =	shalt  }
0x4c: {  	_ =	shalt  }
0x4d: {  	_ =	shalt  }
0x4e: {  	_ =	shalt  }
0x4f: {  	_ =	shalt  }
0x50: {  	_ =	shalt  }
0x51: {  	_ =	shalt  }
0x52: {  	_ =	shalt  }
0x53: {  	_ =	shalt  }
0x54: {  	_ =	shalt  }
0x55: {  	_ =	shalt  }
0x56: {  	_ =	shalt  }
0x57: {  	_ =	shalt  }
0x58: {  	_ =	shalt  }
0x59: {  	_ =	shalt  }
0x5a: {  	_ =	shalt  }
0x5b: {  	_ =	shalt  }
0x5c: {  	_ =	shalt  }
0x5d: {  	_ =	shalt  }
0x5e: {  	_ =	shalt  }
0x5f: {  	_ =	shalt  }
0x60: {  	_ =	shalt  }
0x61: {  	_ =	shalt  }
0x62: {  	_ =	shalt  }
0x63: {  	_ =	shalt  }
0x64: {  	_ =	shalt  }
0x65: {  	_ =	shalt  }
0x66: {  	_ =	shalt  }
0x67: {  	_ =	shalt  }
0x68: {  	_ =	shalt  }
0x69: {  	_ =	shalt  }
0x6a: {  	_ =	shalt  }
0x6b: {  	_ =	shalt  }
0x6c: {  	_ =	shalt  }
0x6d: {  	_ =	shalt  }
0x6e: {  	_ =	shalt  }
0x6f: {  	_ =	shalt  }
0x70: {  	_ =	shalt  }
0x71: {  	_ =	shalt  }
0x72: {  	_ =	shalt  }
0x73: {  	_ =	shalt  }
0x74: {  	_ =	shalt  }
0x75: {  	_ =	shalt  }
0x76: {  	_ =	shalt  }
0x77: {  	_ =	shalt  }
0x78: {  	_ =	shalt  }
0x79: {  	_ =	shalt  }
0x7a: {  	_ =	shalt  }
0x7b: {  	_ =	shalt  }
0x7c: {  	_ =	shalt  }
0x7d: {  	_ =	shalt  }
0x7e: {  	_ =	shalt  }
0x7f: {  	_ =	shalt  }
0x80: {  	_ =	shalt  }
0x81: {  	_ =	shalt  }
0x82: {  	_ =	shalt  }
0x83: {  	_ =	shalt  }
0x84: {  	_ =	shalt  }
0x85: {  	_ =	shalt  }
0x86: {  	_ =	shalt  }
0x87: {  	_ =	shalt  }
.Lfunc_end0:
.L_simem_size_0:
called_computation.1_lowered:
.L_overlay_start_0:
0x88: {  	s2 =	sld [smem:$0x3FD9]  }
0x89: {  	s3 =	sld [smem:$0x3FFE];
	_ =	sdelay $0x1  }
0x8a: {  	s1 =	srdreg.scid  }
0x8b: {  	s0 =	sand.u32 $0x1, s1  }
0x8c: {  	s14 =	sshll.u32 s0, $0xA;
	s2 =	sadd.s32 s3, s2  }
0x8d: {  	s2 =	sadd.s32 s2, s14  }
0x8e: {  	[smem:$0x3FBE] =	sst s2  }
0x8f: {  	_ = 	snop  }
0x90: {  	s2 =	sld [smem:$0x3FD0];
	_ =	sdelay $0x2  }
0x91: {  	s4 =	simm.s32 $0xA;
	s5 =	simm.s32 $0x10;
	s15 =	sld [smem:$0x3FC9]  }
0x92: {  	[smem:s5], [sflag:s4] =	dma.local [hbm:s2], $0x1  }
0x93: {  	_ =	swait.eq [sflag:s4], $0x1  }
0x94: {  	[sflag:s4] =	ssyncset.done $0x0  }
0x95: {  	[sflag:s4] =	ssyncadd.s32 $0xFFFFFFFF  }
0x96: {  	s16 =	sld [smem:$0x11];
	(tm) =	ssettm $0x1  }
0x97: {  	s17 =	sld [smem:$0x3FFB];
	_ =	sdelay $0x3  }
0x98: {  	_ =	strace s17  }
0x99: {  	s4 =	sld [smem:$0x3FFC];
	_ =	sdelay $0x3  }
0x9a: {  	_ =	strace s4  }
0x9b: {  	s4 =	sld [smem:$0x3FFD];
	_ =	sdelay $0x3  }
0x9c: {  	_ =	strace s4  }
0x9d: {  	_ =	strace $0x8FFFFFFF  }
0x9e: {  	s18 =	sld [smem:$0x3FDB];
	_ =	sdelay $0x1  }
0x9f: {  	s19 =	simm.s32 $_scs_section_size  }
0xa0: {  	s6 =	simm.s32 $_size__tile_overlayer_lowered;
	s7 =	simm.s32 $_tile_overlayer_lowered  }
0xa1: {  	s22 =	simm.s32 $0x1BFF;
	s21 =	sshll.u32 s7, $0x1;
	s4 =	sadd.s32 s19, s18  }
0xa2: {  	s8 =	simm.s32 $0x0;
	s20 =	sshll.u32 s6, $0x1;
	s6 =	sadd.s32 s21, s4  }
0xa3: {  	[timem:s8], [sflag:s22] =	dma.local [hbm:s6], s20  }
0xa4: {  	_ =	swait.ge [sflag:s22], s20  }
0xa5: {  	s5 =	ssub.s32 $0x0, s20;
	[sflag:s22] =	ssyncset.done $0x0  }
0xa6: {  	[sflag:s22] =	ssyncadd.s32 s5;
	_ =	sdelay $0x1  }
0xa7: {  	s23 =	simm.s32 $0x1B8B  }
0xa8: {  	_ =	swait.ge [sflag:s23], $0x1  }
0xa9: {  	[sflag:s23] =	ssyncset.done $0x0  }
0xaa: {  	s25 =	simm.s32 $0x1B8E;
	s24 =	sld [smem:$0x3FFE];
	[sflag:s23] =	ssyncadd.s32 $0xFFFFFFFF  }
0xab: {  	s26 =	simm.s32 $execute0_lowered;
	[smem:$0x3FD2] =	sst s25  }
0xac: {  	s6 =	sshll.u32 s26, $0x1;
	_ =	strace $0x80000049;
	[dreg:$0x1] =	wrdreg $0xFFFFFFFF  }
0xad: {  	s28 =	simm.s32 $_size_execute0_lowered;
	s4 =	sadd.s32 s4, s6;
	[dreg:$0x0] =	wrdreg $0x0  }
0xae: {  	s6 =	sshll.u32 s28, $0x1;
	[dreg:$0x2] =	wrdreg s4  }
0xaf: {  	[dreg:$0x3] =	wrdreg s6  }
0xb0: {  	[dreg:$0x4] =	wrdreg $0xC0  }
0xb1: {  	_ =	task [dreg:s8], $0x5FFFF  }
0xb2: {  	[dreg:$0x1] =	wrdreg $0xFFFFFFFF  }
0xb3: {  	[dreg:$0x0] =	wrdreg $0x60  }
0xb4: {  	[dreg:$0x2] =	wrdreg s15  }
0xb5: {  	[dreg:$0x3] =	wrdreg s24  }
0xb6: {  	[dreg:$0x4] =	wrdreg s16  }
0xb7: {  	[dreg:$0x5] =	wrdreg $0x9  }
0xb8: {  	_ =	task.clear_ibuf [dreg:s8], $0x6FFFF;
	_ =	strace $0x90000049  }
0xb9: {  	s29 =	simm.s32 $0x9;
	_ =	strace $0x8000004B  }
0xba: {  	_ =	swait.ge [sflag:s29], $0x1  }
0xbb: {  	[sflag:s29] =	ssyncadd.s32 $0xFFFFFFFF  }
0xbc: {  	_ =	strace $0x9000004B  }
0xbd: {  	_ =	sfence  }
0xbe: {  	s30 =	sld [smem:$0x0];
	_ =	sdelay $0x2  }
0xbf: {  	s31 =	sshll.u32 s1, $0xD;
	s1 =	sshrl.u32 s1, $0x2  }
0xc0: {  	s3 =	sand.u32 $0x4000, s31;
	s1 =	sadd.s32 s1, s30  }
0xc1: {  	s0 =	sor.u32 s3, s0;
	s1 =	sshll.u32 s1, $0x11  }
0xc2: {  	s0 =	sor.u32 s1, s0  }
0xc3: {  	s0 =	sadd.s32 $0x8F2B, s0  }
0xc4: {  	[sflag:s0] =	ssyncadd.remote.s32 $0x1  }
0xc5: {  	_ =	sfence.sel $0xFFFF  }
0xc6: {  	[dreg:$0x0] =	wrdreg $0xFFFFFFFF;
	(pc) =	sbr.abs _section_cstart, $3  }
0xc7: {  	[dreg:$0x1] =	wrdreg $0xFFFFFFFF  }
0xc8: {  	_ =	task.clear_ibuf [dreg:s8], $0x2FFFF;
	_ =	strace $0x9FFFFFFF  }
0xc9: {  	(tm) =	ssettm $0x7FFFFFFF  }
tec
execute0_lowered:
.L_overlay_start_1:
0x0: {  	(tag) =	ssettag $0x1  }
0x1: {  	s4 =	rddreg [dreg:$0x0]  }
0x2: {  	s5 =	rddreg [dreg:$0x1]  }
0x3: {  	s1 =	rddreg [dreg:$0x2]  }
0x4: {  	s0 =	rddreg [dreg:$0x3];
	s2 =	simm.s32 $0x0;
	s3 =	srdreg.scid  }
0x5: {  	s10 =	simm.s32 $0x100;
	s11 =	simm.s32 $0x0;
	[smem:$0x7FF] =	sst s2  }
0x6: {  	s6 =	sand.u32 $0x1, s3;
	s3 =	stileid.u32;
	_ =	strace $0x8000004A  }
0x7: {  	s7 =	ssub.s32 $0x2, s6;
	s6 =	sshll.u32 s6, $0x4;
	s9 =	sshll.u32 s3, $0x5  }
0x8: {  	s8 =	sshrl.u32 s7, $0x1;
	s6 =	sadd.s32 s4, s6;
	s4 =	sadd.s32 $0x1800, s5  }
0x9: {  	s7 =	ssub.s32 s7, s8;
	s5 =	sadd.s32 s9, s6;
	s8 =	simm.s32 $0x2  }
0xa: {  	s9 =	simm.s32 $0x1;
	s6 =	smax.u32 s7, $0x1;
	s7 =	simm.s32 $0x80  }
.LBB2_1:
0xb: {  	[tilespmem:s2], [sflag:$0x1] =	stream.linear.gather [hbm4b:s5+s2], $0x80, $0x38;
	[tilespmem:$0x4100] =	vst v63  }
0xc: {  	_ = 	snop  }
0xd: {  	[tilespmem:s7], [sflag:$0x2] =	stream.linear.gather [hbm4b:s4+s2], $0x80, $0x38;
	[tilespmem:$0x4100] =	vst v63  }
0xe: {  	_ =	swait.ge [sflag:s8], $0x80  }
0xf: {  	[sflag:s8] =	ssyncset.done $0x0  }
0x10: {  	[sflag:s8] =	ssyncadd.s32 $0xFFFFFF80  }
0x11: {  	v0 =	vld [tilespmem:$0x80];
	_ =	sdelay $0x3  }
0x12: {  	s12 =	simm.s32 $0x180  }
0x13: {  	[tilespmem:s12+$0xFFFFFF80] =	vst v0  }
0x14: {  	v0 =	vld [tilespmem:$0x90];
	_ =	sdelay $0x4  }
0x15: {  	[tilespmem:s12+$0xFFFFFF90] =	vst v0  }
0x16: {  	v0 =	vld [tilespmem:$0xA0];
	_ =	sdelay $0x4  }
0x17: {  	[tilespmem:s12+$0xFFFFFFA0] =	vst v0  }
0x18: {  	v0 =	vld [tilespmem:$0xB0];
	_ =	sdelay $0x4  }
0x19: {  	[tilespmem:s12+$0xFFFFFFB0] =	vst v0  }
0x1a: {  	v0 =	vld [tilespmem:$0xC0];
	_ =	sdelay $0x4  }
0x1b: {  	[tilespmem:s12+$0xFFFFFFC0] =	vst v0  }
0x1c: {  	v0 =	vld [tilespmem:$0xD0];
	_ =	sdelay $0x4  }
0x1d: {  	[tilespmem:s12+$0xFFFFFFD0] =	vst v0  }
0x1e: {  	v0 =	vld [tilespmem:$0xE0];
	_ =	sdelay $0x4  }
0x1f: {  	[tilespmem:s12+$0xFFFFFFE0] =	vst v0  }
0x20: {  	v0 =	vld [tilespmem:$0xF0];
	_ =	sdelay $0x4  }
0x21: {  	[tilespmem:s12+$0xFFFFFFF0] =	vst v0  }
0x22: {  	v0 =	vld [tilespmem:$0x80];
	_ =	sdelay $0x4  }
0x23: {  	[tilespmem:s12+$0x0] =	vst v0  }
0x24: {  	v0 =	vld [tilespmem:$0x90];
	_ =	sdelay $0x4  }
0x25: {  	[tilespmem:s12+$0x10] =	vst v0  }
0x26: {  	v0 =	vld [tilespmem:$0xA0];
	_ =	sdelay $0x4  }
0x27: {  	[tilespmem:s12+$0x20] =	vst v0  }
0x28: {  	v0 =	vld [tilespmem:$0xB0];
	_ =	sdelay $0x4  }
0x29: {  	[tilespmem:s12+$0x30] =	vst v0  }
0x2a: {  	v0 =	vld [tilespmem:$0xC0];
	_ =	sdelay $0x4  }
0x2b: {  	[tilespmem:s12+$0x40] =	vst v0  }
0x2c: {  	v0 =	vld [tilespmem:$0xD0];
	_ =	sdelay $0x4  }
0x2d: {  	[tilespmem:s12+$0x50] =	vst v0  }
0x2e: {  	v0 =	vld [tilespmem:$0xE0];
	_ =	sdelay $0x4  }
0x2f: {  	[tilespmem:s12+$0x60] =	vst v0  }
0x30: {  	v0 =	vld [tilespmem:$0xF0];
	_ =	sdelay $0x4  }
0x31: {  	s13 =	simm.s32 $0x0;
	[tilespmem:s12+$0x70] =	vst v0  }
.LBB2_2:
0x32: {  	v0 =	vld [tilespmem:$0x80];
	s13 =	sadd.s32 $0x2, s13  }
0x33: {  	p0 =	slt.u32 s13, $0x7E;
	_ =	sdelay $0x2  }
0x34: {  	s12 =	sadd.s32 $0x100, s12  }
0x35: {  	[tilespmem:s12+$0xFFFFFF80] =	vst v0  }
0x36: {  	v0 =	vld [tilespmem:$0x90];
	_ =	sdelay $0x4  }
0x37: {  	[tilespmem:s12+$0xFFFFFF90] =	vst v0  }
0x38: {  	v0 =	vld [tilespmem:$0xA0];
	_ =	sdelay $0x4  }
0x39: {  	[tilespmem:s12+$0xFFFFFFA0] =	vst v0  }
0x3a: {  	v0 =	vld [tilespmem:$0xB0];
	_ =	sdelay $0x4  }
0x3b: {  	[tilespmem:s12+$0xFFFFFFB0] =	vst v0  }
0x3c: {  	v0 =	vld [tilespmem:$0xC0];
	_ =	sdelay $0x4  }
0x3d: {  	[tilespmem:s12+$0xFFFFFFC0] =	vst v0  }
0x3e: {  	v0 =	vld [tilespmem:$0xD0];
	_ =	sdelay $0x4  }
0x3f: {  	[tilespmem:s12+$0xFFFFFFD0] =	vst v0  }
0x40: {  	v0 =	vld [tilespmem:$0xE0];
	_ =	sdelay $0x4  }
0x41: {  	[tilespmem:s12+$0xFFFFFFE0] =	vst v0  }
0x42: {  	v0 =	vld [tilespmem:$0xF0];
	_ =	sdelay $0x4  }
0x43: {  	[tilespmem:s12+$0xFFFFFFF0] =	vst v0  }
0x44: {  	v0 =	vld [tilespmem:$0x80];
	_ =	sdelay $0x4  }
0x45: {  	[tilespmem:s12+$0x0] =	vst v0  }
0x46: {  	v0 =	vld [tilespmem:$0x90];
	_ =	sdelay $0x4  }
0x47: {  	[tilespmem:s12+$0x10] =	vst v0  }
0x48: {  	v0 =	vld [tilespmem:$0xA0];
	_ =	sdelay $0x4  }
0x49: {  	[tilespmem:s12+$0x20] =	vst v0  }
0x4a: {  	v0 =	vld [tilespmem:$0xB0];
	_ =	sdelay $0x4  }
0x4b: {  	[tilespmem:s12+$0x30] =	vst v0  }
0x4c: {  	v0 =	vld [tilespmem:$0xC0];
	_ =	sdelay $0x4  }
0x4d: {  	[tilespmem:s12+$0x40] =	vst v0  }
0x4e: {  	v0 =	vld [tilespmem:$0xD0];
	_ =	sdelay $0x4  }
0x4f: {  	[tilespmem:s12+$0x50] =	vst v0  }
0x50: {  	v0 =	vld [tilespmem:$0xE0];
	_ =	sdelay $0x4  }
0x51: {  	[tilespmem:s12+$0x60] =	vst v0  }
0x52: {  	v0 =	vld [tilespmem:$0xF0]  }
.Ltmp0:
0x53: {  	(pc) =	sbr.rel @p0 .LBB2_2-.Ltmp0, $2  }
0x54: {  	_ =	sdelay $0x2  }
0x55: {  	[tilespmem:s12+$0x70] =	vst v0  }
0x56: {  	_ =	swait.ge [sflag:s9], $0x80;
	s11 =	sadd.s32 $0x1, s11  }
0x57: {  	[sflag:s9] =	ssyncset.done $0x0;
	p0 =	sne.s32 s11, s6  }
.Ltmp1:
0x58: {  	[sflag:s9] =	ssyncadd.s32 $0xFFFFFF80;
	(pc) =	sbr.rel @p0 .LBB2_1-.Ltmp1, $4  }
0x59: {  	[hbm4b:s1+s7] =	stream.indirect.scatter [tilespmem:s10], [sflag:$0x1], $0x80, s2, s7, $0xb8;
	[tilespmem:$0x4100] =	vst v63  }
0x5a: {  	_ =	swait.ge [sflag:s9], $0x4000  }
0x5b: {  	[sflag:s9] =	ssyncset.done $0x0  }
0x5c: {  	[sflag:s9] =	ssyncadd.s32 $0xFFFFC000  }
0x5d: {  	_ =	sfence.sel $0x180000  }
0x5e: {  	[bflag:$0x0] =	sbarrier.arrive $0xFFFF  }
0x5f: {  	p0 =	sne.s32 s3, $0x0;
	_ =	strace $0x9000004A  }
0x60: {  	s0 =	sadd.s32 @!p0 $0x100000, s0;
	[bflag:$0x2] =	sbarrier.arrive $0xFFFF  }
0x61: {  	[sflag:s0] =	ssyncadd.tile.s32 @!p0 $0x1;
	_ =	shalt  }
.Lfunc_end2:
_tile_overlayer_lowered:
.L_overlay_start_2:
0x62: {  	(tag) =	ssettag $0x2  }
0x63: {  	s0 =	rddreg [dreg:$0x0];
	s2 =	stileid.u32  }
0x64: {  	s1 =	rddreg [dreg:$0x1];
	p0 =	sne.s32 s2, $0x0  }
0x65: {  	s3 =	rddreg [dreg:$0x2];
	[bflag:$0x3] =	sbarrier.arrive $0xFFFF;
	s2 =	simm.s32 @!p0 $0x1C02  }
0x66: {  	[timem:s3], [sflag:s2] =	dma.local @!p0 [hbm:s0], s1  }
0x67: {  	s0 =	simm.s32 @!p0 $0x2  }
0x68: {  	_ =	swait.ge @!p0 [sflag:s0], s1  }
0x69: {  	s1 =	ssub.s32 @!p0 $0x0, s1;
	[sflag:s0] =	ssyncset.done @!p0 $0x0  }
0x6a: {  	[sflag:s0] =	ssyncadd.s32 @!p0 s1  }
0x6b: {  	[bflag:$0x3] =	sbarrier.arrive $0xFFFF  }
0x6c: {  	_ =	shalt  }

</sc_bundles>
